<compile_context>
chip_gen: v7x
topology: tpu7x:2x2x1
jax: 0.10.2.dev20260603
libtpu: 0.0.44.dev20260713+nightly
codegen_flags: <defaults>
</compile_context>

<pallas_src>
import functools

import jax
import jax.numpy as jnp
from jax import lax
from jax.experimental import pallas as pl
from jax.experimental.pallas import tpu as pltpu
from jax.experimental.pallas import tpu_sc as plsc

N = 10000
E = 160000
D = 128
DK = 144
B = 64
NSUB = 16
NPAD = 10240
ROWS_PER_SUB = NPAD // NSUB
CHUNKS = E // B


def _att_proj_body(x_ref, w_ref, b_ref, o_ref):
    o_ref[...] = (
        jnp.dot(x_ref[...], w_ref[...], preferred_element_type=jnp.float32)
        + b_ref[...]
    )


def _att_proj(x, w_t, b):
    bm = 1000
    return pl.pallas_call(
        _att_proj_body,
        grid=(N // bm,),
        in_specs=[
            pl.BlockSpec((bm, D), lambda i: (i, 0)),
            pl.BlockSpec((D, 2 * D), lambda i: (0, 0)),
            pl.BlockSpec((1, 2 * D), lambda i: (0, 0)),
        ],
        out_specs=pl.BlockSpec((bm, 2 * D), lambda i: (i, 0)),
        out_shape=jax.ShapeDtypeStruct((N, 2 * D), jnp.float32),
    )(x, w_t, b)


def _sc_agg_body(x_hbm, att_hbm, rg_hbm, rs_hbm, l_hbm, outp_hbm, outn_hbm,
                 rg_v, rs_v, l_v, arow, xrow, msg, acc_sh, sem_a, sem_x):
    c = lax.axis_index("c")
    s = lax.axis_index("s")

    zvec = jnp.zeros((16,), jnp.float32)

    def zero_row(i, _):
        for k in range(DK // 16):
            msg[i, pl.ds(16 * k, 16)] = zvec
        return 0
    lax.fori_loop(0, B, zero_row, 0)

    row0 = s * ROWS_PER_SUB
    for j in range(ROWS_PER_SUB // B):
        pltpu.sync_copy(msg, acc_sh.at[pl.ds(row0 + j * B, B)])
    plsc.subcore_barrier()

    cnt_vec = jnp.where(lax.iota(jnp.int32, 16) == 0,
                        jnp.float32(1.0), jnp.float32(0.0))

    def cnt_row(i, _):
        msg[i, pl.ds(D, 16)] = cnt_vec
        return 0
    lax.fori_loop(0, B, cnt_row, 0)

    nbase = CHUNKS // NSUB
    n_chunks = nbase + jnp.where(s < CHUNKS - nbase * NSUB, 1, 0)

    def chunk_body(t, _):
        base = c * E + (s + NSUB * t) * B
        pltpu.sync_copy(rg_hbm.at[pl.ds(base, B)], rg_v)
        pltpu.sync_copy(l_hbm.at[pl.ds(base, B)], l_v)
        pltpu.sync_copy(rs_hbm.at[pl.ds(base, B)], rs_v)
        cp_a = pltpu.async_copy(att_hbm.at[rg_v], arow, sem_a)
        cp_x = pltpu.async_copy(x_hbm.at[l_v], xrow, sem_x)
        cp_a.wait()
        cp_x.wait()

        def edge_body(e, _):
            xv = [xrow[e, pl.ds(16 * k, 16)] for k in range(D // 16)]
            av = [arow[e, pl.ds(16 * k, 16)] for k in range(D // 16)]
            acc = av[0] * xv[0]
            for k in range(1, D // 16):
                acc = acc + av[k] * xv[k]
            att = jnp.sum(acc)
            for k in range(D // 16):
                msg[e, pl.ds(16 * k, 16)] = att * xv[k]
            return 0
        lax.fori_loop(0, B, edge_body, 0)

        pltpu.sync_copy(msg, acc_sh.at[rs_v], add=True)
        return 0
    lax.fori_loop(0, n_chunks, chunk_body, 0)

    plsc.subcore_barrier()

    @pl.when(c == 0)
    def _():
        pltpu.sync_copy(acc_sh.at[pl.ds(row0, ROWS_PER_SUB)],
                        outp_hbm.at[pl.ds(row0, ROWS_PER_SUB)])

    @pl.when(c == 1)
    def _():
        pltpu.sync_copy(acc_sh.at[pl.ds(row0, ROWS_PER_SUB)],
                        outn_hbm.at[pl.ds(row0, ROWS_PER_SUB)])


def _sc_agg(x, att_all, rg, rs, l_idx):
    mesh = plsc.VectorSubcoreMesh(core_axis_name="c", subcore_axis_name="s")
    f = pl.kernel(
        _sc_agg_body,
        out_type=[jax.ShapeDtypeStruct((NPAD, DK), jnp.float32),
                  jax.ShapeDtypeStruct((NPAD, DK), jnp.float32)],
        mesh=mesh,
        compiler_params=pltpu.CompilerParams(
            use_tc_tiling_on_sc=False, needs_layout_passes=False),
        scratch_types=[
            pltpu.VMEM((B,), jnp.int32),
            pltpu.VMEM((B,), jnp.int32),
            pltpu.VMEM((B,), jnp.int32),
            pltpu.VMEM((B, D), jnp.float32),
            pltpu.VMEM((B, D), jnp.float32),
            pltpu.VMEM((B, DK), jnp.float32),
            pltpu.VMEM_SHARED((NPAD, DK), jnp.float32),
            pltpu.SemaphoreType.DMA,
            pltpu.SemaphoreType.DMA,
        ],
    )
    return f(x, att_all, rg, rs, l_idx)


def _epilogue_body(sp_ref, sn_ref, x_ref, wp_ref, wpcc_ref, bp_ref,
                   wn_ref, wncc_ref, bn_ref, o_ref):
    sp = sp_ref[...]
    sn = sn_ref[...]
    xb = x_ref[...]
    mp = sp[:, :D] / jnp.maximum(sp[:, D:D + 1], 1.0)
    mn = sn[:, :D] / jnp.maximum(sn[:, D:D + 1], 1.0)
    op = (jnp.dot(mp, wp_ref[...], preferred_element_type=jnp.float32)
          + jnp.dot(xb, wpcc_ref[...], preferred_element_type=jnp.float32)
          + bp_ref[...])
    on = (jnp.dot(mn, wn_ref[...], preferred_element_type=jnp.float32)
          + jnp.dot(xb, wncc_ref[...], preferred_element_type=jnp.float32)
          + bn_ref[...])
    o_ref[...] = jnp.concatenate([op, on], axis=-1)


def _epilogue(sums_p, sums_n, x, wp_t, wpcc_t, bp, wn_t, wncc_t, bn):
    bm = 400
    do = 64
    return pl.pallas_call(
        _epilogue_body,
        grid=(N // bm,),
        in_specs=[
            pl.BlockSpec((bm, DK), lambda i: (i, 0)),
            pl.BlockSpec((bm, DK), lambda i: (i, 0)),
            pl.BlockSpec((bm, D), lambda i: (i, 0)),
            pl.BlockSpec((D, do), lambda i: (0, 0)),
            pl.BlockSpec((D, do), lambda i: (0, 0)),
            pl.BlockSpec((1, do), lambda i: (0, 0)),
            pl.BlockSpec((D, do), lambda i: (0, 0)),
            pl.BlockSpec((D, do), lambda i: (0, 0)),
            pl.BlockSpec((1, do), lambda i: (0, 0)),
        ],
        out_specs=pl.BlockSpec((bm, 2 * do), lambda i: (i, 0)),
        out_shape=jax.ShapeDtypeStruct((N, 2 * do), jnp.float32),
    )(sums_p, sums_n, x, wp_t, wpcc_t, bp, wn_t, wncc_t, bn)


def kernel(x, pos_edge_index, neg_edge_index, W_pos, W_pos_cc, b_pos_cc,
           W_neg, W_neg_cc, b_neg_cc, W_pos_att, b_pos_att, W_neg_att,
           b_neg_att):
    w_att_t = jnp.concatenate([W_pos_att.T, W_neg_att.T], axis=1)
    b_att = jnp.concatenate([b_pos_att, b_neg_att])[None, :]
    att_full = _att_proj(x, w_att_t, b_att)
    att_all = jnp.concatenate([att_full[:, :D], att_full[:, D:]], axis=0)

    rp, lp = pos_edge_index[0], pos_edge_index[1]
    rn, ln = neg_edge_index[0], neg_edge_index[1]
    rg = jnp.concatenate([rp, rn + N])
    rs = jnp.concatenate([rp, rn])
    l_idx = jnp.concatenate([lp, ln])

    sums_p, sums_n = _sc_agg(x, att_all, rg, rs, l_idx)

    return _epilogue(
        sums_p[:N], sums_n[:N], x, W_pos.T, W_pos_cc.T, b_pos_cc[None, :],
        W_neg.T, W_neg_cc.T, b_neg_cc[None, :])

# --- scband reference (transcript-rebuilt; emitter-appended) ---
"""Pipeline reference for scband-signed-conv-10660108829350 (READ-ONLY COPY).

The authoritative reference and input builder live on the scoring server;
editing this copy changes nothing except your own understanding.
"""

import jax, jax.numpy as jnp
import numpy as np

N = 10000
E_POS = 160000
E_NEG = 160000
D_IN = 128
D_OUT = 64


def setup_inputs(seed: int = 0) -> dict:
    key = jax.random.key(seed)
    ks = jax.random.split(key, 13)
    x = jax.random.normal(ks[0], (N, D_IN), dtype=jnp.float32)
    pos_edge_index = jax.random.randint(ks[1], (2, E_POS), 0, N)
    neg_edge_index = jax.random.randint(ks[2], (2, E_NEG), 0, N)
    s_in = 1.0 / np.sqrt(D_IN)
    W_pos = jax.random.normal(ks[3], (D_OUT, D_IN), dtype=jnp.float32) * s_in
    W_pos_cc = jax.random.normal(ks[4], (D_OUT, D_IN), dtype=jnp.float32) * s_in
    b_pos_cc = jax.random.normal(ks[5], (D_OUT,), dtype=jnp.float32) * s_in
    W_neg = jax.random.normal(ks[6], (D_OUT, D_IN), dtype=jnp.float32) * s_in
    W_neg_cc = jax.random.normal(ks[7], (D_OUT, D_IN), dtype=jnp.float32) * s_in
    b_neg_cc = jax.random.normal(ks[8], (D_OUT,), dtype=jnp.float32) * s_in
    W_pos_att = jax.random.normal(ks[9], (2 * D_OUT, D_IN), dtype=jnp.float32) * s_in
    b_pos_att = jax.random.normal(ks[10], (2 * D_OUT,), dtype=jnp.float32) * s_in
    W_neg_att = jax.random.normal(ks[11], (2 * D_OUT, D_IN), dtype=jnp.float32) * s_in
    b_neg_att = jax.random.normal(ks[12], (2 * D_OUT,), dtype=jnp.float32) * s_in
    return {"x": x, "pos_edge_index": pos_edge_index, "neg_edge_index": neg_edge_index,
            "W_pos": W_pos, "W_pos_cc": W_pos_cc, "b_pos_cc": b_pos_cc,
            "W_neg": W_neg, "W_neg_cc": W_neg_cc, "b_neg_cc": b_neg_cc,
            "W_pos_att": W_pos_att, "b_pos_att": b_pos_att,
            "W_neg_att": W_neg_att, "b_neg_att": b_neg_att}


def _agg_weighted_mean(edge_index, att_mat, x):
    # computeNegFeaMean: attention-weighted scatter-mean over incoming edges.
    # att[i] = dot(att_mat[r_i], x[l_i]) computed with .item() in torch -> detached constant.
    r = edge_index[0]
    l = edge_index[1]
    att = jax.lax.stop_gradient(jnp.sum(att_mat[r] * x[l], axis=-1))
    msg = att[:, None] * x[l]
    n = x.shape[0]
    out = jnp.zeros((n, x.shape[1]), dtype=x.dtype).at[r].add(msg)
    cnt = jnp.zeros((n,), dtype=x.dtype).at[r].add(1.0)
    return out / jnp.maximum(cnt, 1.0)[:, None]


def reference(x, pos_edge_index, neg_edge_index, W_pos, W_pos_cc, b_pos_cc,
              W_neg, W_neg_cc, b_neg_cc, W_pos_att, b_pos_att, W_neg_att, b_neg_att):
    pos_att_mat = x @ W_pos_att.T + b_pos_att
    neg_att_mat = x @ W_neg_att.T + b_neg_att
    # first_aggr=True path
    out_pos = _agg_weighted_mean(pos_edge_index, pos_att_mat, x) @ W_pos.T
    out_pos = out_pos + (x @ W_pos_cc.T + b_pos_cc)
    out_neg = _agg_weighted_mean(neg_edge_index, neg_att_mat, x) @ W_neg.T
    out_neg = out_neg + (x @ W_neg_cc.T + b_neg_cc)
    return jnp.concatenate([out_pos, out_neg], axis=-1)

if __name__ == "__main__":
    import jax
    _d = setup_inputs()
    print(jax.jit(kernel)(*tuple(_d.values())))

</pallas_src>

<mosaic_0001>
#map = affine_map<(d0, d1) -> (0, 0)>
#map1 = affine_map<(d0, d1) -> (0)>
module attributes {stable_mosaic.version = 14 : i64} {
  func.func @_sc_agg_body(%arg0: i32, %arg1: i32, %arg2: memref<10000x128xf32, #tpu.memory_space<hbm>>, %arg3: memref<20000x128xf32, #tpu.memory_space<hbm>>, %arg4: memref<320000xi32, #tpu.memory_space<hbm>>, %arg5: memref<320000xi32, #tpu.memory_space<hbm>>, %arg6: memref<320000xi32, #tpu.memory_space<hbm>>, %arg7: memref<10240x144xf32, #tpu.memory_space<hbm>>, %arg8: memref<10240x144xf32, #tpu.memory_space<hbm>>, %arg9: memref<64xi32, #tpu.memory_space<vmem>>, %arg10: memref<64xi32, #tpu.memory_space<vmem>>, %arg11: memref<64xi32, #tpu.memory_space<vmem>>, %arg12: memref<64x128xf32, #tpu.memory_space<vmem>>, %arg13: memref<64x128xf32, #tpu.memory_space<vmem>>, %arg14: memref<64x144xf32, #tpu.memory_space<vmem>>, %arg15: memref<10240x144xf32, #tpu.memory_space<vmem_shared>>, %arg16: memref<!tpu.dma_semaphore, #tpu.memory_space<semaphore_mem>>, %arg17: memref<!tpu.dma_semaphore, #tpu.memory_space<semaphore_mem>>) attributes {dimension_semantics = [#tpu.dimension_semantics<core_parallel>, #tpu.dimension_semantics<subcore_parallel>], iteration_bounds = array<i64: 2, 16>, scalar_prefetch = 0 : i64, scratch_operands = 9 : i64, tpu.core_type = #tpu.core_type<sc_vector_subcore>, window_params = [{transform_indices = #map}, {transform_indices = #map}, {transform_indices = #map1}, {transform_indices = #map1}, {transform_indices = #map1}, {transform_indices = #map}, {transform_indices = #map}]} {
    %broadcast_in_dim3A = arith.constant 0.000000e+00 : f32
    %broadcast_in_dim3A_0 = vector.broadcast %broadcast_in_dim3A : f32 to vector<16xf32>
    %scan3A = arith.constant 0 : i32
    %scan3A_1 = arith.constant 0 : i32
    %scan3A_2 = arith.constant 64 : i32
    %scan3A_3 = arith.addi %scan3A_1, %scan3A_2 : i32
    %scan3A_4 = arith.constant 1 : i32
    %scan3A_5 = scf.for %scan3A_65 = %scan3A_1 to %scan3A_3 step %scan3A_4 iter_args(%scan3A_66 = %scan3A) -> (i32)  : i32 {
      %swap3A = arith.index_cast %scan3A_65 : i32 to index
      %swap3A_67 = arith.constant 0 : index
      %swap3A_68 = tpu.vector_load %arg14[%swap3A, %swap3A_67] {strides = array<i32>} : memref<64x144xf32, #tpu.memory_space<vmem>>, vector<16xf32>,
      tpu.vector_store %arg14[%swap3A, %swap3A_67], %broadcast_in_dim3A_0 {strides = array<i32>} : memref<64x144xf32, #tpu.memory_space<vmem>>, vector<16xf32>,
      %swap3A_69 = arith.index_cast %scan3A_65 : i32 to index
      %swap3A_70 = arith.constant 16 : index
      %swap3A_71 = tpu.vector_load %arg14[%swap3A_69, %swap3A_70] {strides = array<i32>} : memref<64x144xf32, #tpu.memory_space<vmem>>, vector<16xf32>,
      tpu.vector_store %arg14[%swap3A_69, %swap3A_70], %broadcast_in_dim3A_0 {strides = array<i32>} : memref<64x144xf32, #tpu.memory_space<vmem>>, vector<16xf32>,
      %swap3A_72 = arith.index_cast %scan3A_65 : i32 to index
      %swap3A_73 = arith.constant 32 : index
      %swap3A_74 = tpu.vector_load %arg14[%swap3A_72, %swap3A_73] {strides = array<i32>} : memref<64x144xf32, #tpu.memory_space<vmem>>, vector<16xf32>,
      tpu.vector_store %arg14[%swap3A_72, %swap3A_73], %broadcast_in_dim3A_0 {strides = array<i32>} : memref<64x144xf32, #tpu.memory_space<vmem>>, vector<16xf32>,
      %swap3A_75 = arith.index_cast %scan3A_65 : i32 to index
      %swap3A_76 = arith.constant 48 : index
      %swap3A_77 = tpu.vector_load %arg14[%swap3A_75, %swap3A_76] {strides = array<i32>} : memref<64x144xf32, #tpu.memory_space<vmem>>, vector<16xf32>,
      tpu.vector_store %arg14[%swap3A_75, %swap3A_76], %broadcast_in_dim3A_0 {strides = array<i32>} : memref<64x144xf32, #tpu.memory_space<vmem>>, vector<16xf32>,
      %swap3A_78 = arith.index_cast %scan3A_65 : i32 to index
      %swap3A_79 = arith.constant 64 : index
      %swap3A_80 = tpu.vector_load %arg14[%swap3A_78, %swap3A_79] {strides = array<i32>} : memref<64x144xf32, #tpu.memory_space<vmem>>, vector<16xf32>,
      tpu.vector_store %arg14[%swap3A_78, %swap3A_79], %broadcast_in_dim3A_0 {strides = array<i32>} : memref<64x144xf32, #tpu.memory_space<vmem>>, vector<16xf32>,
      %swap3A_81 = arith.index_cast %scan3A_65 : i32 to index
      %swap3A_82 = arith.constant 80 : index
      %swap3A_83 = tpu.vector_load %arg14[%swap3A_81, %swap3A_82] {strides = array<i32>} : memref<64x144xf32, #tpu.memory_space<vmem>>, vector<16xf32>,
      tpu.vector_store %arg14[%swap3A_81, %swap3A_82], %broadcast_in_dim3A_0 {strides = array<i32>} : memref<64x144xf32, #tpu.memory_space<vmem>>, vector<16xf32>,
      %swap3A_84 = arith.index_cast %scan3A_65 : i32 to index
      %swap3A_85 = arith.constant 96 : index
      %swap3A_86 = tpu.vector_load %arg14[%swap3A_84, %swap3A_85] {strides = array<i32>} : memref<64x144xf32, #tpu.memory_space<vmem>>, vector<16xf32>,
      tpu.vector_store %arg14[%swap3A_84, %swap3A_85], %broadcast_in_dim3A_0 {strides = array<i32>} : memref<64x144xf32, #tpu.memory_space<vmem>>, vector<16xf32>,
      %swap3A_87 = arith.index_cast %scan3A_65 : i32 to index
      %swap3A_88 = arith.constant 112 : index
      %swap3A_89 = tpu.vector_load %arg14[%swap3A_87, %swap3A_88] {strides = array<i32>} : memref<64x144xf32, #tpu.memory_space<vmem>>, vector<16xf32>,
      tpu.vector_store %arg14[%swap3A_87, %swap3A_88], %broadcast_in_dim3A_0 {strides = array<i32>} : memref<64x144xf32, #tpu.memory_space<vmem>>, vector<16xf32>,
      %swap3A_90 = arith.index_cast %scan3A_65 : i32 to index
      %swap3A_91 = arith.constant 128 : index
      %swap3A_92 = tpu.vector_load %arg14[%swap3A_90, %swap3A_91] {strides = array<i32>} : memref<64x144xf32, #tpu.memory_space<vmem>>, vector<16xf32>,
      tpu.vector_store %arg14[%swap3A_90, %swap3A_91], %broadcast_in_dim3A_0 {strides = array<i32>} : memref<64x144xf32, #tpu.memory_space<vmem>>, vector<16xf32>,
      %scan3A_93 = arith.constant 0 : i32
      scf.yield %scan3A_93 : i32
    }
    %scan3A_6 = arith.constant 64 : i32
    %mul3A = arith.constant 640 : i32
    %mul3A_7 = arith.muli %arg1, %mul3A : i32
    %add3A = arith.constant 0 : i32
    %add3A_8 = arith.addi %mul3A_7, %add3A : i32
    "tpu.region"() ({
      %run_scoped3A = tpu.sem_alloc : memref<!tpu.dma_semaphore, #tpu.memory_space<semaphore_mem>>
      %dma_start3A = arith.constant 0 : i32
      %dma_start3A_65 = tpu.memref_slice %arg15[%add3A_8, %dma_start3A] : memref<10240x144xf32, #tpu.memory_space<vmem_shared>> -> memref<64x144xf32, #tpu.memory_space<vmem_shared>>
      %dma_start3A_66 = arith.constant 0 : i32
      %dma_start3A_67 = tpu.memref_slice %arg15[%add3A_8, %dma_start3A_66] : memref<10240x144xf32, #tpu.memory_space<vmem_shared>> -> memref<64x144xf32, #tpu.memory_space<vmem_shared>>
      tpu.enqueue_dma source(%arg14 : memref<64x144xf32, #tpu.memory_space<vmem>>) target(%dma_start3A_67 : memref<64x144xf32, #tpu.memory_space<vmem_shared>>) target_semaphore(%run_scoped3A : memref<!tpu.dma_semaphore, #tpu.memory_space<semaphore_mem>>)
      %dma_wait3A = arith.constant 0 : i32
      %dma_wait3A_68 = tpu.memref_slice %arg15[%add3A_8, %dma_wait3A] : memref<10240x144xf32, #tpu.memory_space<vmem_shared>> -> memref<64x144xf32, #tpu.memory_space<vmem_shared>>
      %dma_wait3A_69 = arith.constant 0 : i32
      %dma_wait3A_70 = tpu.memref_slice %arg15[%add3A_8, %dma_wait3A_69] : memref<10240x144xf32, #tpu.memory_space<vmem_shared>> -> memref<64x144xf32, #tpu.memory_space<vmem_shared>>
      tpu.wait_dma2 semaphore(%run_scoped3A : memref<!tpu.dma_semaphore, #tpu.memory_space<semaphore_mem>>) src(%arg14 : memref<64x144xf32, #tpu.memory_space<vmem>>) dst(%dma_wait3A_70 : memref<64x144xf32, #tpu.memory_space<vmem_shared>>)
      tpu.yield
    }) : () -> ()
    %add3A_9 = arith.constant 64 : i32
    %add3A_10 = arith.addi %mul3A_7, %add3A_9 : i32
    "tpu.region"() ({
      %run_scoped3A = tpu.sem_alloc : memref<!tpu.dma_semaphore, #tpu.memory_space<semaphore_mem>>
      %dma_start3A = arith.constant 0 : i32
      %dma_start3A_65 = tpu.memref_slice %arg15[%add3A_10, %dma_start3A] : memref<10240x144xf32, #tpu.memory_space<vmem_shared>> -> memref<64x144xf32, #tpu.memory_space<vmem_shared>>
      %dma_start3A_66 = arith.constant 0 : i32
      %dma_start3A_67 = tpu.memref_slice %arg15[%add3A_10, %dma_start3A_66] : memref<10240x144xf32, #tpu.memory_space<vmem_shared>> -> memref<64x144xf32, #tpu.memory_space<vmem_shared>>
      tpu.enqueue_dma source(%arg14 : memref<64x144xf32, #tpu.memory_space<vmem>>) target(%dma_start3A_67 : memref<64x144xf32, #tpu.memory_space<vmem_shared>>) target_semaphore(%run_scoped3A : memref<!tpu.dma_semaphore, #tpu.memory_space<semaphore_mem>>)
      %dma_wait3A = arith.constant 0 : i32
      %dma_wait3A_68 = tpu.memref_slice %arg15[%add3A_10, %dma_wait3A] : memref<10240x144xf32, #tpu.memory_space<vmem_shared>> -> memref<64x144xf32, #tpu.memory_space<vmem_shared>>
      %dma_wait3A_69 = arith.constant 0 : i32
      %dma_wait3A_70 = tpu.memref_slice %arg15[%add3A_10, %dma_wait3A_69] : memref<10240x144xf32, #tpu.memory_space<vmem_shared>> -> memref<64x144xf32, #tpu.memory_space<vmem_shared>>
      tpu.wait_dma2 semaphore(%run_scoped3A : memref<!tpu.dma_semaphore, #tpu.memory_space<semaphore_mem>>) src(%arg14 : memref<64x144xf32, #tpu.memory_space<vmem>>) dst(%dma_wait3A_70 : memref<64x144xf32, #tpu.memory_space<vmem_shared>>)
      tpu.yield
    }) : () -> ()
    %add3A_11 = arith.constant 128 : i32
    %add3A_12 = arith.addi %mul3A_7, %add3A_11 : i32
    "tpu.region"() ({
      %run_scoped3A = tpu.sem_alloc : memref<!tpu.dma_semaphore, #tpu.memory_space<semaphore_mem>>
      %dma_start3A = arith.constant 0 : i32
      %dma_start3A_65 = tpu.memref_slice %arg15[%add3A_12, %dma_start3A] : memref<10240x144xf32, #tpu.memory_space<vmem_shared>> -> memref<64x144xf32, #tpu.memory_space<vmem_shared>>
      %dma_start3A_66 = arith.constant 0 : i32
      %dma_start3A_67 = tpu.memref_slice %arg15[%add3A_12, %dma_start3A_66] : memref<10240x144xf32, #tpu.memory_space<vmem_shared>> -> memref<64x144xf32, #tpu.memory_space<vmem_shared>>
      tpu.enqueue_dma source(%arg14 : memref<64x144xf32, #tpu.memory_space<vmem>>) target(%dma_start3A_67 : memref<64x144xf32, #tpu.memory_space<vmem_shared>>) target_semaphore(%run_scoped3A : memref<!tpu.dma_semaphore, #tpu.memory_space<semaphore_mem>>)
      %dma_wait3A = arith.constant 0 : i32
      %dma_wait3A_68 = tpu.memref_slice %arg15[%add3A_12, %dma_wait3A] : memref<10240x144xf32, #tpu.memory_space<vmem_shared>> -> memref<64x144xf32, #tpu.memory_space<vmem_shared>>
      %dma_wait3A_69 = arith.constant 0 : i32
      %dma_wait3A_70 = tpu.memref_slice %arg15[%add3A_12, %dma_wait3A_69] : memref<10240x144xf32, #tpu.memory_space<vmem_shared>> -> memref<64x144xf32, #tpu.memory_space<vmem_shared>>
      tpu.wait_dma2 semaphore(%run_scoped3A : memref<!tpu.dma_semaphore, #tpu.memory_space<semaphore_mem>>) src(%arg14 : memref<64x144xf32, #tpu.memory_space<vmem>>) dst(%dma_wait3A_70 : memref<64x144xf32, #tpu.memory_space<vmem_shared>>)
      tpu.yield
    }) : () -> ()
    %add3A_13 = arith.constant 192 : i32
    %add3A_14 = arith.addi %mul3A_7, %add3A_13 : i32
    "tpu.region"() ({
      %run_scoped3A = tpu.sem_alloc : memref<!tpu.dma_semaphore, #tpu.memory_space<semaphore_mem>>
      %dma_start3A = arith.constant 0 : i32
      %dma_start3A_65 = tpu.memref_slice %arg15[%add3A_14, %dma_start3A] : memref<10240x144xf32, #tpu.memory_space<vmem_shared>> -> memref<64x144xf32, #tpu.memory_space<vmem_shared>>
      %dma_start3A_66 = arith.constant 0 : i32
      %dma_start3A_67 = tpu.memref_slice %arg15[%add3A_14, %dma_start3A_66] : memref<10240x144xf32, #tpu.memory_space<vmem_shared>> -> memref<64x144xf32, #tpu.memory_space<vmem_shared>>
      tpu.enqueue_dma source(%arg14 : memref<64x144xf32, #tpu.memory_space<vmem>>) target(%dma_start3A_67 : memref<64x144xf32, #tpu.memory_space<vmem_shared>>) target_semaphore(%run_scoped3A : memref<!tpu.dma_semaphore, #tpu.memory_space<semaphore_mem>>)
      %dma_wait3A = arith.constant 0 : i32
      %dma_wait3A_68 = tpu.memref_slice %arg15[%add3A_14, %dma_wait3A] : memref<10240x144xf32, #tpu.memory_space<vmem_shared>> -> memref<64x144xf32, #tpu.memory_space<vmem_shared>>
      %dma_wait3A_69 = arith.constant 0 : i32
      %dma_wait3A_70 = tpu.memref_slice %arg15[%add3A_14, %dma_wait3A_69] : memref<10240x144xf32, #tpu.memory_space<vmem_shared>> -> memref<64x144xf32, #tpu.memory_space<vmem_shared>>
      tpu.wait_dma2 semaphore(%run_scoped3A : memref<!tpu.dma_semaphore, #tpu.memory_space<semaphore_mem>>) src(%arg14 : memref<64x144xf32, #tpu.memory_space<vmem>>) dst(%dma_wait3A_70 : memref<64x144xf32, #tpu.memory_space<vmem_shared>>)
      tpu.yield
    }) : () -> ()
    %add3A_15 = arith.constant 256 : i32
    %add3A_16 = arith.addi %mul3A_7, %add3A_15 : i32
    "tpu.region"() ({
      %run_scoped3A = tpu.sem_alloc : memref<!tpu.dma_semaphore, #tpu.memory_space<semaphore_mem>>
      %dma_start3A = arith.constant 0 : i32
      %dma_start3A_65 = tpu.memref_slice %arg15[%add3A_16, %dma_start3A] : memref<10240x144xf32, #tpu.memory_space<vmem_shared>> -> memref<64x144xf32, #tpu.memory_space<vmem_shared>>
      %dma_start3A_66 = arith.constant 0 : i32
      %dma_start3A_67 = tpu.memref_slice %arg15[%add3A_16, %dma_start3A_66] : memref<10240x144xf32, #tpu.memory_space<vmem_shared>> -> memref<64x144xf32, #tpu.memory_space<vmem_shared>>
      tpu.enqueue_dma source(%arg14 : memref<64x144xf32, #tpu.memory_space<vmem>>) target(%dma_start3A_67 : memref<64x144xf32, #tpu.memory_space<vmem_shared>>) target_semaphore(%run_scoped3A : memref<!tpu.dma_semaphore, #tpu.memory_space<semaphore_mem>>)
      %dma_wait3A = arith.constant 0 : i32
      %dma_wait3A_68 = tpu.memref_slice %arg15[%add3A_16, %dma_wait3A] : memref<10240x144xf32, #tpu.memory_space<vmem_shared>> -> memref<64x144xf32, #tpu.memory_space<vmem_shared>>
      %dma_wait3A_69 = arith.constant 0 : i32
      %dma_wait3A_70 = tpu.memref_slice %arg15[%add3A_16, %dma_wait3A_69] : memref<10240x144xf32, #tpu.memory_space<vmem_shared>> -> memref<64x144xf32, #tpu.memory_space<vmem_shared>>
      tpu.wait_dma2 semaphore(%run_scoped3A : memref<!tpu.dma_semaphore, #tpu.memory_space<semaphore_mem>>) src(%arg14 : memref<64x144xf32, #tpu.memory_space<vmem>>) dst(%dma_wait3A_70 : memref<64x144xf32, #tpu.memory_space<vmem_shared>>)
      tpu.yield
    }) : () -> ()
    %add3A_17 = arith.constant 320 : i32
    %add3A_18 = arith.addi %mul3A_7, %add3A_17 : i32
    "tpu.region"() ({
      %run_scoped3A = tpu.sem_alloc : memref<!tpu.dma_semaphore, #tpu.memory_space<semaphore_mem>>
      %dma_start3A = arith.constant 0 : i32
      %dma_start3A_65 = tpu.memref_slice %arg15[%add3A_18, %dma_start3A] : memref<10240x144xf32, #tpu.memory_space<vmem_shared>> -> memref<64x144xf32, #tpu.memory_space<vmem_shared>>
      %dma_start3A_66 = arith.constant 0 : i32
      %dma_start3A_67 = tpu.memref_slice %arg15[%add3A_18, %dma_start3A_66] : memref<10240x144xf32, #tpu.memory_space<vmem_shared>> -> memref<64x144xf32, #tpu.memory_space<vmem_shared>>
      tpu.enqueue_dma source(%arg14 : memref<64x144xf32, #tpu.memory_space<vmem>>) target(%dma_start3A_67 : memref<64x144xf32, #tpu.memory_space<vmem_shared>>) target_semaphore(%run_scoped3A : memref<!tpu.dma_semaphore, #tpu.memory_space<semaphore_mem>>)
      %dma_wait3A = arith.constant 0 : i32
      %dma_wait3A_68 = tpu.memref_slice %arg15[%add3A_18, %dma_wait3A] : memref<10240x144xf32, #tpu.memory_space<vmem_shared>> -> memref<64x144xf32, #tpu.memory_space<vmem_shared>>
      %dma_wait3A_69 = arith.constant 0 : i32
      %dma_wait3A_70 = tpu.memref_slice %arg15[%add3A_18, %dma_wait3A_69] : memref<10240x144xf32, #tpu.memory_space<vmem_shared>> -> memref<64x144xf32, #tpu.memory_space<vmem_shared>>
      tpu.wait_dma2 semaphore(%run_scoped3A : memref<!tpu.dma_semaphore, #tpu.memory_space<semaphore_mem>>) src(%arg14 : memref<64x144xf32, #tpu.memory_space<vmem>>) dst(%dma_wait3A_70 : memref<64x144xf32, #tpu.memory_space<vmem_shared>>)
      tpu.yield
    }) : () -> ()
    %add3A_19 = arith.constant 384 : i32
    %add3A_20 = arith.addi %mul3A_7, %add3A_19 : i32
    "tpu.region"() ({
      %run_scoped3A = tpu.sem_alloc : memref<!tpu.dma_semaphore, #tpu.memory_space<semaphore_mem>>
      %dma_start3A = arith.constant 0 : i32
      %dma_start3A_65 = tpu.memref_slice %arg15[%add3A_20, %dma_start3A] : memref<10240x144xf32, #tpu.memory_space<vmem_shared>> -> memref<64x144xf32, #tpu.memory_space<vmem_shared>>
      %dma_start3A_66 = arith.constant 0 : i32
      %dma_start3A_67 = tpu.memref_slice %arg15[%add3A_20, %dma_start3A_66] : memref<10240x144xf32, #tpu.memory_space<vmem_shared>> -> memref<64x144xf32, #tpu.memory_space<vmem_shared>>
      tpu.enqueue_dma source(%arg14 : memref<64x144xf32, #tpu.memory_space<vmem>>) target(%dma_start3A_67 : memref<64x144xf32, #tpu.memory_space<vmem_shared>>) target_semaphore(%run_scoped3A : memref<!tpu.dma_semaphore, #tpu.memory_space<semaphore_mem>>)
      %dma_wait3A = arith.constant 0 : i32
      %dma_wait3A_68 = tpu.memref_slice %arg15[%add3A_20, %dma_wait3A] : memref<10240x144xf32, #tpu.memory_space<vmem_shared>> -> memref<64x144xf32, #tpu.memory_space<vmem_shared>>
      %dma_wait3A_69 = arith.constant 0 : i32
      %dma_wait3A_70 = tpu.memref_slice %arg15[%add3A_20, %dma_wait3A_69] : memref<10240x144xf32, #tpu.memory_space<vmem_shared>> -> memref<64x144xf32, #tpu.memory_space<vmem_shared>>
      tpu.wait_dma2 semaphore(%run_scoped3A : memref<!tpu.dma_semaphore, #tpu.memory_space<semaphore_mem>>) src(%arg14 : memref<64x144xf32, #tpu.memory_space<vmem>>) dst(%dma_wait3A_70 : memref<64x144xf32, #tpu.memory_space<vmem_shared>>)
      tpu.yield
    }) : () -> ()
    %add3A_21 = arith.constant 448 : i32
    %add3A_22 = arith.addi %mul3A_7, %add3A_21 : i32
    "tpu.region"() ({
      %run_scoped3A = tpu.sem_alloc : memref<!tpu.dma_semaphore, #tpu.memory_space<semaphore_mem>>
      %dma_start3A = arith.constant 0 : i32
      %dma_start3A_65 = tpu.memref_slice %arg15[%add3A_22, %dma_start3A] : memref<10240x144xf32, #tpu.memory_space<vmem_shared>> -> memref<64x144xf32, #tpu.memory_space<vmem_shared>>
      %dma_start3A_66 = arith.constant 0 : i32
      %dma_start3A_67 = tpu.memref_slice %arg15[%add3A_22, %dma_start3A_66] : memref<10240x144xf32, #tpu.memory_space<vmem_shared>> -> memref<64x144xf32, #tpu.memory_space<vmem_shared>>
      tpu.enqueue_dma source(%arg14 : memref<64x144xf32, #tpu.memory_space<vmem>>) target(%dma_start3A_67 : memref<64x144xf32, #tpu.memory_space<vmem_shared>>) target_semaphore(%run_scoped3A : memref<!tpu.dma_semaphore, #tpu.memory_space<semaphore_mem>>)
      %dma_wait3A = arith.constant 0 : i32
      %dma_wait3A_68 = tpu.memref_slice %arg15[%add3A_22, %dma_wait3A] : memref<10240x144xf32, #tpu.memory_space<vmem_shared>> -> memref<64x144xf32, #tpu.memory_space<vmem_shared>>
      %dma_wait3A_69 = arith.constant 0 : i32
      %dma_wait3A_70 = tpu.memref_slice %arg15[%add3A_22, %dma_wait3A_69] : memref<10240x144xf32, #tpu.memory_space<vmem_shared>> -> memref<64x144xf32, #tpu.memory_space<vmem_shared>>
      tpu.wait_dma2 semaphore(%run_scoped3A : memref<!tpu.dma_semaphore, #tpu.memory_space<semaphore_mem>>) src(%arg14 : memref<64x144xf32, #tpu.memory_space<vmem>>) dst(%dma_wait3A_70 : memref<64x144xf32, #tpu.memory_space<vmem_shared>>)
      tpu.yield
    }) : () -> ()
    %add3A_23 = arith.constant 512 : i32
    %add3A_24 = arith.addi %mul3A_7, %add3A_23 : i32
    "tpu.region"() ({
      %run_scoped3A = tpu.sem_alloc : memref<!tpu.dma_semaphore, #tpu.memory_space<semaphore_mem>>
      %dma_start3A = arith.constant 0 : i32
      %dma_start3A_65 = tpu.memref_slice %arg15[%add3A_24, %dma_start3A] : memref<10240x144xf32, #tpu.memory_space<vmem_shared>> -> memref<64x144xf32, #tpu.memory_space<vmem_shared>>
      %dma_start3A_66 = arith.constant 0 : i32
      %dma_start3A_67 = tpu.memref_slice %arg15[%add3A_24, %dma_start3A_66] : memref<10240x144xf32, #tpu.memory_space<vmem_shared>> -> memref<64x144xf32, #tpu.memory_space<vmem_shared>>
      tpu.enqueue_dma source(%arg14 : memref<64x144xf32, #tpu.memory_space<vmem>>) target(%dma_start3A_67 : memref<64x144xf32, #tpu.memory_space<vmem_shared>>) target_semaphore(%run_scoped3A : memref<!tpu.dma_semaphore, #tpu.memory_space<semaphore_mem>>)
      %dma_wait3A = arith.constant 0 : i32
      %dma_wait3A_68 = tpu.memref_slice %arg15[%add3A_24, %dma_wait3A] : memref<10240x144xf32, #tpu.memory_space<vmem_shared>> -> memref<64x144xf32, #tpu.memory_space<vmem_shared>>
      %dma_wait3A_69 = arith.constant 0 : i32
      %dma_wait3A_70 = tpu.memref_slice %arg15[%add3A_24, %dma_wait3A_69] : memref<10240x144xf32, #tpu.memory_space<vmem_shared>> -> memref<64x144xf32, #tpu.memory_space<vmem_shared>>
      tpu.wait_dma2 semaphore(%run_scoped3A : memref<!tpu.dma_semaphore, #tpu.memory_space<semaphore_mem>>) src(%arg14 : memref<64x144xf32, #tpu.memory_space<vmem>>) dst(%dma_wait3A_70 : memref<64x144xf32, #tpu.memory_space<vmem_shared>>)
      tpu.yield
    }) : () -> ()
    %add3A_25 = arith.constant 576 : i32
    %add3A_26 = arith.addi %mul3A_7, %add3A_25 : i32
    "tpu.region"() ({
      %run_scoped3A = tpu.sem_alloc : memref<!tpu.dma_semaphore, #tpu.memory_space<semaphore_mem>>
      %dma_start3A = arith.constant 0 : i32
      %dma_start3A_65 = tpu.memref_slice %arg15[%add3A_26, %dma_start3A] : memref<10240x144xf32, #tpu.memory_space<vmem_shared>> -> memref<64x144xf32, #tpu.memory_space<vmem_shared>>
      %dma_start3A_66 = arith.constant 0 : i32
      %dma_start3A_67 = tpu.memref_slice %arg15[%add3A_26, %dma_start3A_66] : memref<10240x144xf32, #tpu.memory_space<vmem_shared>> -> memref<64x144xf32, #tpu.memory_space<vmem_shared>>
      tpu.enqueue_dma source(%arg14 : memref<64x144xf32, #tpu.memory_space<vmem>>) target(%dma_start3A_67 : memref<64x144xf32, #tpu.memory_space<vmem_shared>>) target_semaphore(%run_scoped3A : memref<!tpu.dma_semaphore, #tpu.memory_space<semaphore_mem>>)
      %dma_wait3A = arith.constant 0 : i32
      %dma_wait3A_68 = tpu.memref_slice %arg15[%add3A_26, %dma_wait3A] : memref<10240x144xf32, #tpu.memory_space<vmem_shared>> -> memref<64x144xf32, #tpu.memory_space<vmem_shared>>
      %dma_wait3A_69 = arith.constant 0 : i32
      %dma_wait3A_70 = tpu.memref_slice %arg15[%add3A_26, %dma_wait3A_69] : memref<10240x144xf32, #tpu.memory_space<vmem_shared>> -> memref<64x144xf32, #tpu.memory_space<vmem_shared>>
      tpu.wait_dma2 semaphore(%run_scoped3A : memref<!tpu.dma_semaphore, #tpu.memory_space<semaphore_mem>>) src(%arg14 : memref<64x144xf32, #tpu.memory_space<vmem>>) dst(%dma_wait3A_70 : memref<64x144xf32, #tpu.memory_space<vmem_shared>>)
      tpu.yield
    }) : () -> ()
    %barrier3A = arith.constant 0 : index
    tpu.barrier barrier_id(%barrier3A)
    %iota3A = tpu.iota {dimensions = array<i32: 0>} : vector<16xi32>
    %eq3A = arith.constant 0 : i32
    %eq3A_27 = vector.broadcast %eq3A : i32 to vector<16xi32>
    %eq3A_28 = arith.cmpi eq, %iota3A, %eq3A_27 : vector<16xi32>
    %jit3A = arith.constant 1.000000e+00 : f32
    %jit3A_29 = arith.constant 0.000000e+00 : f32
    %broadcast_in_dim3A_30 = vector.broadcast %jit3A : f32 to vector<16xf32>
    %broadcast_in_dim3A_31 = vector.broadcast %jit3A_29 : f32 to vector<16xf32>
    %select_n3A = arith.select %eq3A_28, %broadcast_in_dim3A_30, %broadcast_in_dim3A_31 : vector<16xi1>, vector<16xf32>
    %scan3A_32 = arith.constant 0 : i32
    %scan3A_33 = arith.constant 0 : i32
    %scan3A_34 = arith.constant 64 : i32
    %scan3A_35 = arith.addi %scan3A_33, %scan3A_34 : i32
    %scan3A_36 = arith.constant 1 : i32
    %scan3A_37 = scf.for %scan3A_65 = %scan3A_33 to %scan3A_35 step %scan3A_36 iter_args(%scan3A_66 = %scan3A_32) -> (i32)  : i32 {
      %swap3A = arith.index_cast %scan3A_65 : i32 to index
      %swap3A_67 = arith.constant 128 : index
      %swap3A_68 = tpu.vector_load %arg14[%swap3A, %swap3A_67] {strides = array<i32>} : memref<64x144xf32, #tpu.memory_space<vmem>>, vector<16xf32>,
      tpu.vector_store %arg14[%swap3A, %swap3A_67], %select_n3A {strides = array<i32>} : memref<64x144xf32, #tpu.memory_space<vmem>>, vector<16xf32>,
      %scan3A_69 = arith.constant 0 : i32
      scf.yield %scan3A_69 : i32
    }
    %scan3A_38 = arith.constant 64 : i32
    %lt3A = arith.constant 4 : i32
    %lt3A_39 = arith.cmpi slt, %arg1, %lt3A : i32
    %jit3A_40 = arith.constant 1 : i32
    %jit3A_41 = arith.constant 0 : i32
    %select_n3A_42 = arith.select %lt3A_39, %jit3A_40, %jit3A_41 : i32
    %add3A_43 = arith.constant 156 : i32
    %add3A_44 = arith.addi %add3A_43, %select_n3A_42 : i32
    %while3A = arith.constant 0 : i32
    %while3A_45 = arith.constant 0 : i32
    %while3A_46 = arith.subi %add3A_44, %while3A : i32
    %while3A_47 = arith.addi %while3A, %while3A_46 : i32
    %while3A_48 = arith.constant 1 : i32
    %while3A_49 = arith.divsi %while3A_46, %while3A_48 : i32
    %while3A_50 = arith.muli %while3A_49, %while3A_48 : i32
    %while3A_51 = arith.addi %while3A, %while3A_50 : i32
    %while3A_52 = arith.constant 1 : i32
    %while3A_53 = scf.for %while3A_65 = %while3A to %while3A_51 step %while3A_52 iter_args(%while3A_66 = %while3A_45) -> (i32)  : i32 {
      %mul3A_67 = arith.constant 160000 : i32
      %mul3A_68 = arith.muli %arg0, %mul3A_67 : i32
      %mul3A_69 = arith.constant 16 : i32
      %mul3A_70 = arith.muli %mul3A_69, %while3A_65 : i32
      %add3A_71 = arith.addi %arg1, %mul3A_70 : i32
      %mul3A_72 = arith.constant 64 : i32
      %mul3A_73 = arith.muli %add3A_71, %mul3A_72 : i32
      %add3A_74 = arith.addi %mul3A_68, %mul3A_73 : i32
      "tpu.region"() ({
        %run_scoped3A = tpu.sem_alloc : memref<!tpu.dma_semaphore, #tpu.memory_space<semaphore_mem>>
        %dma_start3A_93 = tpu.memref_slice %arg4[%add3A_74] : memref<320000xi32, #tpu.memory_space<hbm>> -> memref<64xi32, #tpu.memory_space<hbm>>
        %dma_start3A_94 = tpu.memref_slice %arg4[%add3A_74] : memref<320000xi32, #tpu.memory_space<hbm>> -> memref<64xi32, #tpu.memory_space<hbm>>
        tpu.enqueue_dma source(%dma_start3A_94 : memref<64xi32, #tpu.memory_space<hbm>>) target(%arg9 : memref<64xi32, #tpu.memory_space<vmem>>) target_semaphore(%run_scoped3A : memref<!tpu.dma_semaphore, #tpu.memory_space<semaphore_mem>>)
        %dma_wait3A_95 = tpu.memref_slice %arg4[%add3A_74] : memref<320000xi32, #tpu.memory_space<hbm>> -> memref<64xi32, #tpu.memory_space<hbm>>
        %dma_wait3A_96 = tpu.memref_slice %arg4[%add3A_74] : memref<320000xi32, #tpu.memory_space<hbm>> -> memref<64xi32, #tpu.memory_space<hbm>>
        tpu.wait_dma2 semaphore(%run_scoped3A : memref<!tpu.dma_semaphore, #tpu.memory_space<semaphore_mem>>) src(%dma_wait3A_96 : memref<64xi32, #tpu.memory_space<hbm>>) dst(%arg9 : memref<64xi32, #tpu.memory_space<vmem>>)
        tpu.yield
      }) : () -> ()
      "tpu.region"() ({
        %run_scoped3A = tpu.sem_alloc : memref<!tpu.dma_semaphore, #tpu.memory_space<semaphore_mem>>
        %dma_start3A_93 = tpu.memref_slice %arg6[%add3A_74] : memref<320000xi32, #tpu.memory_space<hbm>> -> memref<64xi32, #tpu.memory_space<hbm>>
        %dma_start3A_94 = tpu.memref_slice %arg6[%add3A_74] : memref<320000xi32, #tpu.memory_space<hbm>> -> memref<64xi32, #tpu.memory_space<hbm>>
        tpu.enqueue_dma source(%dma_start3A_94 : memref<64xi32, #tpu.memory_space<hbm>>) target(%arg11 : memref<64xi32, #tpu.memory_space<vmem>>) target_semaphore(%run_scoped3A : memref<!tpu.dma_semaphore, #tpu.memory_space<semaphore_mem>>)
        %dma_wait3A_95 = tpu.memref_slice %arg6[%add3A_74] : memref<320000xi32, #tpu.memory_space<hbm>> -> memref<64xi32, #tpu.memory_space<hbm>>
        %dma_wait3A_96 = tpu.memref_slice %arg6[%add3A_74] : memref<320000xi32, #tpu.memory_space<hbm>> -> memref<64xi32, #tpu.memory_space<hbm>>
        tpu.wait_dma2 semaphore(%run_scoped3A : memref<!tpu.dma_semaphore, #tpu.memory_space<semaphore_mem>>) src(%dma_wait3A_96 : memref<64xi32, #tpu.memory_space<hbm>>) dst(%arg11 : memref<64xi32, #tpu.memory_space<vmem>>)
        tpu.yield
      }) : () -> ()
      "tpu.region"() ({
        %run_scoped3A = tpu.sem_alloc : memref<!tpu.dma_semaphore, #tpu.memory_space<semaphore_mem>>
        %dma_start3A_93 = tpu.memref_slice %arg5[%add3A_74] : memref<320000xi32, #tpu.memory_space<hbm>> -> memref<64xi32, #tpu.memory_space<hbm>>
        %dma_start3A_94 = tpu.memref_slice %arg5[%add3A_74] : memref<320000xi32, #tpu.memory_space<hbm>> -> memref<64xi32, #tpu.memory_space<hbm>>
        tpu.enqueue_dma source(%dma_start3A_94 : memref<64xi32, #tpu.memory_space<hbm>>) target(%arg10 : memref<64xi32, #tpu.memory_space<vmem>>) target_semaphore(%run_scoped3A : memref<!tpu.dma_semaphore, #tpu.memory_space<semaphore_mem>>)
        %dma_wait3A_95 = tpu.memref_slice %arg5[%add3A_74] : memref<320000xi32, #tpu.memory_space<hbm>> -> memref<64xi32, #tpu.memory_space<hbm>>
        %dma_wait3A_96 = tpu.memref_slice %arg5[%add3A_74] : memref<320000xi32, #tpu.memory_space<hbm>> -> memref<64xi32, #tpu.memory_space<hbm>>
        tpu.wait_dma2 semaphore(%run_scoped3A : memref<!tpu.dma_semaphore, #tpu.memory_space<semaphore_mem>>) src(%dma_wait3A_96 : memref<64xi32, #tpu.memory_space<hbm>>) dst(%arg10 : memref<64xi32, #tpu.memory_space<vmem>>)
        tpu.yield
      }) : () -> ()
      %dma_start3A = arith.constant 0 : i32
      %dma_start3A_75 = arith.constant 0 : i32
      %dma_start3A_76 = tpu.memref_slice %arg3[%dma_start3A, %dma_start3A_75] : memref<20000x128xf32, #tpu.memory_space<hbm>> -> memref<20000x128xf32, #tpu.memory_space<hbm>>
      tpu.enqueue_indirect_dma source(%dma_start3A_76 : memref<20000x128xf32, #tpu.memory_space<hbm>>) target(%arg12 : memref<64x128xf32, #tpu.memory_space<vmem>>) offsets(%arg9 : memref<64xi32, #tpu.memory_space<vmem>>) semaphore(%arg16 : memref<!tpu.dma_semaphore, #tpu.memory_space<semaphore_mem>>)
      %dma_start3A_77 = arith.constant 0 : i32
      %dma_start3A_78 = arith.constant 0 : i32
      %dma_start3A_79 = tpu.memref_slice %arg2[%dma_start3A_77, %dma_start3A_78] : memref<10000x128xf32, #tpu.memory_space<hbm>> -> memref<10000x128xf32, #tpu.memory_space<hbm>>
      tpu.enqueue_indirect_dma source(%dma_start3A_79 : memref<10000x128xf32, #tpu.memory_space<hbm>>) target(%arg13 : memref<64x128xf32, #tpu.memory_space<vmem>>) offsets(%arg11 : memref<64xi32, #tpu.memory_space<vmem>>) semaphore(%arg17 : memref<!tpu.dma_semaphore, #tpu.memory_space<semaphore_mem>>)
      %dma_wait3A = arith.constant 0 : i32
      %dma_wait3A_80 = arith.constant 0 : i32
      %dma_wait3A_81 = tpu.memref_slice %arg3[%dma_wait3A, %dma_wait3A_80] : memref<20000x128xf32, #tpu.memory_space<hbm>> -> memref<20000x128xf32, #tpu.memory_space<hbm>>
      tpu.wait_indirect_dma semaphore(%arg16 : memref<!tpu.dma_semaphore, #tpu.memory_space<semaphore_mem>>) src(%dma_wait3A_81 : memref<20000x128xf32, #tpu.memory_space<hbm>>) dst(%arg12 : memref<64x128xf32, #tpu.memory_space<vmem>>)
      %dma_wait3A_82 = arith.constant 0 : i32
      %dma_wait3A_83 = arith.constant 0 : i32
      %dma_wait3A_84 = tpu.memref_slice %arg2[%dma_wait3A_82, %dma_wait3A_83] : memref<10000x128xf32, #tpu.memory_space<hbm>> -> memref<10000x128xf32, #tpu.memory_space<hbm>>
      tpu.wait_indirect_dma semaphore(%arg17 : memref<!tpu.dma_semaphore, #tpu.memory_space<semaphore_mem>>) src(%dma_wait3A_84 : memref<10000x128xf32, #tpu.memory_space<hbm>>) dst(%arg13 : memref<64x128xf32, #tpu.memory_space<vmem>>)
      %scan3A_85 = arith.constant 0 : i32
      %scan3A_86 = arith.constant 0 : i32
      %scan3A_87 = arith.constant 64 : i32
      %scan3A_88 = arith.addi %scan3A_86, %scan3A_87 : i32
      %scan3A_89 = arith.constant 1 : i32
      %scan3A_90 = scf.for %scan3A_93 = %scan3A_86 to %scan3A_88 step %scan3A_89 iter_args(%scan3A_94 = %scan3A_85) -> (i32)  : i32 {
        %get3A = arith.index_cast %scan3A_93 : i32 to index
        %get3A_95 = arith.constant 0 : index
        %get3A_96 = tpu.vector_load %arg13[%get3A, %get3A_95] {strides = array<i32>} : memref<64x128xf32, #tpu.memory_space<vmem>>, vector<16xf32>,
        %get3A_97 = arith.index_cast %scan3A_93 : i32 to index
        %get3A_98 = arith.constant 16 : index
        %get3A_99 = tpu.vector_load %arg13[%get3A_97, %get3A_98] {strides = array<i32>} : memref<64x128xf32, #tpu.memory_space<vmem>>, vector<16xf32>,
        %get3A_100 = arith.index_cast %scan3A_93 : i32 to index
        %get3A_101 = arith.constant 32 : index
        %get3A_102 = tpu.vector_load %arg13[%get3A_100, %get3A_101] {strides = array<i32>} : memref<64x128xf32, #tpu.memory_space<vmem>>, vector<16xf32>,
        %get3A_103 = arith.index_cast %scan3A_93 : i32 to index
        %get3A_104 = arith.constant 48 : index
        %get3A_105 = tpu.vector_load %arg13[%get3A_103, %get3A_104] {strides = array<i32>} : memref<64x128xf32, #tpu.memory_space<vmem>>, vector<16xf32>,
        %get3A_106 = arith.index_cast %scan3A_93 : i32 to index
        %get3A_107 = arith.constant 64 : index
        %get3A_108 = tpu.vector_load %arg13[%get3A_106, %get3A_107] {strides = array<i32>} : memref<64x128xf32, #tpu.memory_space<vmem>>, vector<16xf32>,
        %get3A_109 = arith.index_cast %scan3A_93 : i32 to index
        %get3A_110 = arith.constant 80 : index
        %get3A_111 = tpu.vector_load %arg13[%get3A_109, %get3A_110] {strides = array<i32>} : memref<64x128xf32, #tpu.memory_space<vmem>>, vector<16xf32>,
        %get3A_112 = arith.index_cast %scan3A_93 : i32 to index
        %get3A_113 = arith.constant 96 : index
        %get3A_114 = tpu.vector_load %arg13[%get3A_112, %get3A_113] {strides = array<i32>} : memref<64x128xf32, #tpu.memory_space<vmem>>, vector<16xf32>,
        %get3A_115 = arith.index_cast %scan3A_93 : i32 to index
        %get3A_116 = arith.constant 112 : index
        %get3A_117 = tpu.vector_load %arg13[%get3A_115, %get3A_116] {strides = array<i32>} : memref<64x128xf32, #tpu.memory_space<vmem>>, vector<16xf32>,
        %get3A_118 = arith.index_cast %scan3A_93 : i32 to index
        %get3A_119 = arith.constant 0 : index
        %get3A_120 = tpu.vector_load %arg12[%get3A_118, %get3A_119] {strides = array<i32>} : memref<64x128xf32, #tpu.memory_space<vmem>>, vector<16xf32>,
        %get3A_121 = arith.index_cast %scan3A_93 : i32 to index
        %get3A_122 = arith.constant 16 : index
        %get3A_123 = tpu.vector_load %arg12[%get3A_121, %get3A_122] {strides = array<i32>} : memref<64x128xf32, #tpu.memory_space<vmem>>, vector<16xf32>,
        %get3A_124 = arith.index_cast %scan3A_93 : i32 to index
        %get3A_125 = arith.constant 32 : index
        %get3A_126 = tpu.vector_load %arg12[%get3A_124, %get3A_125] {strides = array<i32>} : memref<64x128xf32, #tpu.memory_space<vmem>>, vector<16xf32>,
        %get3A_127 = arith.index_cast %scan3A_93 : i32 to index
        %get3A_128 = arith.constant 48 : index
        %get3A_129 = tpu.vector_load %arg12[%get3A_127, %get3A_128] {strides = array<i32>} : memref<64x128xf32, #tpu.memory_space<vmem>>, vector<16xf32>,
        %get3A_130 = arith.index_cast %scan3A_93 : i32 to index
        %get3A_131 = arith.constant 64 : index
        %get3A_132 = tpu.vector_load %arg12[%get3A_130, %get3A_131] {strides = array<i32>} : memref<64x128xf32, #tpu.memory_space<vmem>>, vector<16xf32>,
        %get3A_133 = arith.index_cast %scan3A_93 : i32 to index
        %get3A_134 = arith.constant 80 : index
        %get3A_135 = tpu.vector_load %arg12[%get3A_133, %get3A_134] {strides = array<i32>} : memref<64x128xf32, #tpu.memory_space<vmem>>, vector<16xf32>,
        %get3A_136 = arith.index_cast %scan3A_93 : i32 to index
        %get3A_137 = arith.constant 96 : index
        %get3A_138 = tpu.vector_load %arg12[%get3A_136, %get3A_137] {strides = array<i32>} : memref<64x128xf32, #tpu.memory_space<vmem>>, vector<16xf32>,
        %get3A_139 = arith.index_cast %scan3A_93 : i32 to index
        %get3A_140 = arith.constant 112 : index
        %get3A_141 = tpu.vector_load %arg12[%get3A_139, %get3A_140] {strides = array<i32>} : memref<64x128xf32, #tpu.memory_space<vmem>>, vector<16xf32>,
        %mul3A_142 = arith.mulf %get3A_120, %get3A_96 : vector<16xf32>
        %mul3A_143 = arith.mulf %get3A_123, %get3A_99 : vector<16xf32>
        %add3A_144 = arith.addf %mul3A_142, %mul3A_143 : vector<16xf32>
        %mul3A_145 = arith.mulf %get3A_126, %get3A_102 : vector<16xf32>
        %add3A_146 = arith.addf %add3A_144, %mul3A_145 : vector<16xf32>
        %mul3A_147 = arith.mulf %get3A_129, %get3A_105 : vector<16xf32>
        %add3A_148 = arith.addf %add3A_146, %mul3A_147 : vector<16xf32>
        %mul3A_149 = arith.mulf %get3A_132, %get3A_108 : vector<16xf32>
        %add3A_150 = arith.addf %add3A_148, %mul3A_149 : vector<16xf32>
        %mul3A_151 = arith.mulf %get3A_135, %get3A_111 : vector<16xf32>
        %add3A_152 = arith.addf %add3A_150, %mul3A_151 : vector<16xf32>
        %mul3A_153 = arith.mulf %get3A_138, %get3A_114 : vector<16xf32>
        %add3A_154 = arith.addf %add3A_152, %mul3A_153 : vector<16xf32>
        %mul3A_155 = arith.mulf %get3A_141, %get3A_117 : vector<16xf32>
        %add3A_156 = arith.addf %add3A_154, %mul3A_155 : vector<16xf32>
        %reduce_sum3A = arith.constant true
        %reduce_sum3A_157 = vector.broadcast %reduce_sum3A : i1 to vector<16xi1>
        %reduce_sum3A_158 = tpu.scan <sum>, %add3A_156 masked %reduce_sum3A_157 : vector<16xf32>, vector<16xi1> -> vector<16xf32>
        %reduce_sum3A_159 = vector.extract %reduce_sum3A_158[15] : f32 from vector<16xf32>
        %mul3A_160 = vector.broadcast %reduce_sum3A_159 : f32 to vector<16xf32>
        %mul3A_161 = arith.mulf %mul3A_160, %get3A_96 : vector<16xf32>
        %swap3A = arith.index_cast %scan3A_93 : i32 to index
        %swap3A_162 = arith.constant 0 : index
        %swap3A_163 = tpu.vector_load %arg14[%swap3A, %swap3A_162] {strides = array<i32>} : memref<64x144xf32, #tpu.memory_space<vmem>>, vector<16xf32>,
        tpu.vector_store %arg14[%swap3A, %swap3A_162], %mul3A_161 {strides = array<i32>} : memref<64x144xf32, #tpu.memory_space<vmem>>, vector<16xf32>,
        %mul3A_164 = vector.broadcast %reduce_sum3A_159 : f32 to vector<16xf32>
        %mul3A_165 = arith.mulf %mul3A_164, %get3A_99 : vector<16xf32>
        %swap3A_166 = arith.index_cast %scan3A_93 : i32 to index
        %swap3A_167 = arith.constant 16 : index
        %swap3A_168 = tpu.vector_load %arg14[%swap3A_166, %swap3A_167] {strides = array<i32>} : memref<64x144xf32, #tpu.memory_space<vmem>>, vector<16xf32>,
        tpu.vector_store %arg14[%swap3A_166, %swap3A_167], %mul3A_165 {strides = array<i32>} : memref<64x144xf32, #tpu.memory_space<vmem>>, vector<16xf32>,
        %mul3A_169 = vector.broadcast %reduce_sum3A_159 : f32 to vector<16xf32>
        %mul3A_170 = arith.mulf %mul3A_169, %get3A_102 : vector<16xf32>
        %swap3A_171 = arith.index_cast %scan3A_93 : i32 to index
        %swap3A_172 = arith.constant 32 : index
        %swap3A_173 = tpu.vector_load %arg14[%swap3A_171, %swap3A_172] {strides = array<i32>} : memref<64x144xf32, #tpu.memory_space<vmem>>, vector<16xf32>,
        tpu.vector_store %arg14[%swap3A_171, %swap3A_172], %mul3A_170 {strides = array<i32>} : memref<64x144xf32, #tpu.memory_space<vmem>>, vector<16xf32>,
        %mul3A_174 = vector.broadcast %reduce_sum3A_159 : f32 to vector<16xf32>
        %mul3A_175 = arith.mulf %mul3A_174, %get3A_105 : vector<16xf32>
        %swap3A_176 = arith.index_cast %scan3A_93 : i32 to index
        %swap3A_177 = arith.constant 48 : index
        %swap3A_178 = tpu.vector_load %arg14[%swap3A_176, %swap3A_177] {strides = array<i32>} : memref<64x144xf32, #tpu.memory_space<vmem>>, vector<16xf32>,
        tpu.vector_store %arg14[%swap3A_176, %swap3A_177], %mul3A_175 {strides = array<i32>} : memref<64x144xf32, #tpu.memory_space<vmem>>, vector<16xf32>,
        %mul3A_179 = vector.broadcast %reduce_sum3A_159 : f32 to vector<16xf32>
        %mul3A_180 = arith.mulf %mul3A_179, %get3A_108 : vector<16xf32>
        %swap3A_181 = arith.index_cast %scan3A_93 : i32 to index
        %swap3A_182 = arith.constant 64 : index
        %swap3A_183 = tpu.vector_load %arg14[%swap3A_181, %swap3A_182] {strides = array<i32>} : memref<64x144xf32, #tpu.memory_space<vmem>>, vector<16xf32>,
        tpu.vector_store %arg14[%swap3A_181, %swap3A_182], %mul3A_180 {strides = array<i32>} : memref<64x144xf32, #tpu.memory_space<vmem>>, vector<16xf32>,
        %mul3A_184 = vector.broadcast %reduce_sum3A_159 : f32 to vector<16xf32>
        %mul3A_185 = arith.mulf %mul3A_184, %get3A_111 : vector<16xf32>
        %swap3A_186 = arith.index_cast %scan3A_93 : i32 to index
        %swap3A_187 = arith.constant 80 : index
        %swap3A_188 = tpu.vector_load %arg14[%swap3A_186, %swap3A_187] {strides = array<i32>} : memref<64x144xf32, #tpu.memory_space<vmem>>, vector<16xf32>,
        tpu.vector_store %arg14[%swap3A_186, %swap3A_187], %mul3A_185 {strides = array<i32>} : memref<64x144xf32, #tpu.memory_space<vmem>>, vector<16xf32>,
        %mul3A_189 = vector.broadcast %reduce_sum3A_159 : f32 to vector<16xf32>
        %mul3A_190 = arith.mulf %mul3A_189, %get3A_114 : vector<16xf32>
        %swap3A_191 = arith.index_cast %scan3A_93 : i32 to index
        %swap3A_192 = arith.constant 96 : index
        %swap3A_193 = tpu.vector_load %arg14[%swap3A_191, %swap3A_192] {strides = array<i32>} : memref<64x144xf32, #tpu.memory_space<vmem>>, vector<16xf32>,
        tpu.vector_store %arg14[%swap3A_191, %swap3A_192], %mul3A_190 {strides = array<i32>} : memref<64x144xf32, #tpu.memory_space<vmem>>, vector<16xf32>,
        %mul3A_194 = vector.broadcast %reduce_sum3A_159 : f32 to vector<16xf32>
        %mul3A_195 = arith.mulf %mul3A_194, %get3A_117 : vector<16xf32>
        %swap3A_196 = arith.index_cast %scan3A_93 : i32 to index
        %swap3A_197 = arith.constant 112 : index
        %swap3A_198 = tpu.vector_load %arg14[%swap3A_196, %swap3A_197] {strides = array<i32>} : memref<64x144xf32, #tpu.memory_space<vmem>>, vector<16xf32>,
        tpu.vector_store %arg14[%swap3A_196, %swap3A_197], %mul3A_195 {strides = array<i32>} : memref<64x144xf32, #tpu.memory_space<vmem>>, vector<16xf32>,
        %scan3A_199 = arith.constant 0 : i32
        scf.yield %scan3A_199 : i32
      }
      %scan3A_91 = arith.constant 64 : i32
      "tpu.region"() ({
        %run_scoped3A = tpu.sem_alloc : memref<!tpu.dma_semaphore, #tpu.memory_space<semaphore_mem>>
        %dma_start3A_93 = arith.constant 0 : i32
        %dma_start3A_94 = arith.constant 0 : i32
        %dma_start3A_95 = tpu.memref_slice %arg15[%dma_start3A_93, %dma_start3A_94] : memref<10240x144xf32, #tpu.memory_space<vmem_shared>> -> memref<10240x144xf32, #tpu.memory_space<vmem_shared>>
        tpu.enqueue_indirect_dma source(%arg14 : memref<64x144xf32, #tpu.memory_space<vmem>>) target(%dma_start3A_95 : memref<10240x144xf32, #tpu.memory_space<vmem_shared>>) offsets(%arg10 : memref<64xi32, #tpu.memory_space<vmem>>) semaphore(%run_scoped3A : memref<!tpu.dma_semaphore, #tpu.memory_space<semaphore_mem>>) {add = true}
        %dma_wait3A_96 = arith.constant 0 : i32
        %dma_wait3A_97 = arith.constant 0 : i32
        %dma_wait3A_98 = tpu.memref_slice %arg15[%dma_wait3A_96, %dma_wait3A_97] : memref<10240x144xf32, #tpu.memory_space<vmem_shared>> -> memref<10240x144xf32, #tpu.memory_space<vmem_shared>>
        tpu.wait_indirect_dma semaphore(%run_scoped3A : memref<!tpu.dma_semaphore, #tpu.memory_space<semaphore_mem>>) src(%arg14 : memref<64x144xf32, #tpu.memory_space<vmem>>) dst(%dma_wait3A_98 : memref<10240x144xf32, #tpu.memory_space<vmem_shared>>)
        tpu.yield
      }) : () -> ()
      %while3A_92 = arith.constant 0 : i32
      scf.yield %while3A_92 : i32
    }
    %while3A_54 = arith.constant 1 : i32
    %while3A_55 = scf.for %while3A_65 = %while3A_51 to %while3A_47 step %while3A_54 iter_args(%while3A_66 = %while3A_53) -> (i32)  : i32 {
      %mul3A_67 = arith.constant 160000 : i32
      %mul3A_68 = arith.muli %arg0, %mul3A_67 : i32
      %mul3A_69 = arith.constant 16 : i32
      %mul3A_70 = arith.muli %mul3A_69, %while3A_65 : i32
      %add3A_71 = arith.addi %arg1, %mul3A_70 : i32
      %mul3A_72 = arith.constant 64 : i32
      %mul3A_73 = arith.muli %add3A_71, %mul3A_72 : i32
      %add3A_74 = arith.addi %mul3A_68, %mul3A_73 : i32
      "tpu.region"() ({
        %run_scoped3A = tpu.sem_alloc : memref<!tpu.dma_semaphore, #tpu.memory_space<semaphore_mem>>
        %dma_start3A_93 = tpu.memref_slice %arg4[%add3A_74] : memref<320000xi32, #tpu.memory_space<hbm>> -> memref<64xi32, #tpu.memory_space<hbm>>
        %dma_start3A_94 = tpu.memref_slice %arg4[%add3A_74] : memref<320000xi32, #tpu.memory_space<hbm>> -> memref<64xi32, #tpu.memory_space<hbm>>
        tpu.enqueue_dma source(%dma_start3A_94 : memref<64xi32, #tpu.memory_space<hbm>>) target(%arg9 : memref<64xi32, #tpu.memory_space<vmem>>) target_semaphore(%run_scoped3A : memref<!tpu.dma_semaphore, #tpu.memory_space<semaphore_mem>>)
        %dma_wait3A_95 = tpu.memref_slice %arg4[%add3A_74] : memref<320000xi32, #tpu.memory_space<hbm>> -> memref<64xi32, #tpu.memory_space<hbm>>
        %dma_wait3A_96 = tpu.memref_slice %arg4[%add3A_74] : memref<320000xi32, #tpu.memory_space<hbm>> -> memref<64xi32, #tpu.memory_space<hbm>>
        tpu.wait_dma2 semaphore(%run_scoped3A : memref<!tpu.dma_semaphore, #tpu.memory_space<semaphore_mem>>) src(%dma_wait3A_96 : memref<64xi32, #tpu.memory_space<hbm>>) dst(%arg9 : memref<64xi32, #tpu.memory_space<vmem>>)
        tpu.yield
      }) : () -> ()
      "tpu.region"() ({
        %run_scoped3A = tpu.sem_alloc : memref<!tpu.dma_semaphore, #tpu.memory_space<semaphore_mem>>
        %dma_start3A_93 = tpu.memref_slice %arg6[%add3A_74] : memref<320000xi32, #tpu.memory_space<hbm>> -> memref<64xi32, #tpu.memory_space<hbm>>
        %dma_start3A_94 = tpu.memref_slice %arg6[%add3A_74] : memref<320000xi32, #tpu.memory_space<hbm>> -> memref<64xi32, #tpu.memory_space<hbm>>
        tpu.enqueue_dma source(%dma_start3A_94 : memref<64xi32, #tpu.memory_space<hbm>>) target(%arg11 : memref<64xi32, #tpu.memory_space<vmem>>) target_semaphore(%run_scoped3A : memref<!tpu.dma_semaphore, #tpu.memory_space<semaphore_mem>>)
        %dma_wait3A_95 = tpu.memref_slice %arg6[%add3A_74] : memref<320000xi32, #tpu.memory_space<hbm>> -> memref<64xi32, #tpu.memory_space<hbm>>
        %dma_wait3A_96 = tpu.memref_slice %arg6[%add3A_74] : memref<320000xi32, #tpu.memory_space<hbm>> -> memref<64xi32, #tpu.memory_space<hbm>>
        tpu.wait_dma2 semaphore(%run_scoped3A : memref<!tpu.dma_semaphore, #tpu.memory_space<semaphore_mem>>) src(%dma_wait3A_96 : memref<64xi32, #tpu.memory_space<hbm>>) dst(%arg11 : memref<64xi32, #tpu.memory_space<vmem>>)
        tpu.yield
      }) : () -> ()
      "tpu.region"() ({
        %run_scoped3A = tpu.sem_alloc : memref<!tpu.dma_semaphore, #tpu.memory_space<semaphore_mem>>
        %dma_start3A_93 = tpu.memref_slice %arg5[%add3A_74] : memref<320000xi32, #tpu.memory_space<hbm>> -> memref<64xi32, #tpu.memory_space<hbm>>
        %dma_start3A_94 = tpu.memref_slice %arg5[%add3A_74] : memref<320000xi32, #tpu.memory_space<hbm>> -> memref<64xi32, #tpu.memory_space<hbm>>
        tpu.enqueue_dma source(%dma_start3A_94 : memref<64xi32, #tpu.memory_space<hbm>>) target(%arg10 : memref<64xi32, #tpu.memory_space<vmem>>) target_semaphore(%run_scoped3A : memref<!tpu.dma_semaphore, #tpu.memory_space<semaphore_mem>>)
        %dma_wait3A_95 = tpu.memref_slice %arg5[%add3A_74] : memref<320000xi32, #tpu.memory_space<hbm>> -> memref<64xi32, #tpu.memory_space<hbm>>
        %dma_wait3A_96 = tpu.memref_slice %arg5[%add3A_74] : memref<320000xi32, #tpu.memory_space<hbm>> -> memref<64xi32, #tpu.memory_space<hbm>>
        tpu.wait_dma2 semaphore(%run_scoped3A : memref<!tpu.dma_semaphore, #tpu.memory_space<semaphore_mem>>) src(%dma_wait3A_96 : memref<64xi32, #tpu.memory_space<hbm>>) dst(%arg10 : memref<64xi32, #tpu.memory_space<vmem>>)
        tpu.yield
      }) : () -> ()
      %dma_start3A = arith.constant 0 : i32
      %dma_start3A_75 = arith.constant 0 : i32
      %dma_start3A_76 = tpu.memref_slice %arg3[%dma_start3A, %dma_start3A_75] : memref<20000x128xf32, #tpu.memory_space<hbm>> -> memref<20000x128xf32, #tpu.memory_space<hbm>>
      tpu.enqueue_indirect_dma source(%dma_start3A_76 : memref<20000x128xf32, #tpu.memory_space<hbm>>) target(%arg12 : memref<64x128xf32, #tpu.memory_space<vmem>>) offsets(%arg9 : memref<64xi32, #tpu.memory_space<vmem>>) semaphore(%arg16 : memref<!tpu.dma_semaphore, #tpu.memory_space<semaphore_mem>>)
      %dma_start3A_77 = arith.constant 0 : i32
      %dma_start3A_78 = arith.constant 0 : i32
      %dma_start3A_79 = tpu.memref_slice %arg2[%dma_start3A_77, %dma_start3A_78] : memref<10000x128xf32, #tpu.memory_space<hbm>> -> memref<10000x128xf32, #tpu.memory_space<hbm>>
      tpu.enqueue_indirect_dma source(%dma_start3A_79 : memref<10000x128xf32, #tpu.memory_space<hbm>>) target(%arg13 : memref<64x128xf32, #tpu.memory_space<vmem>>) offsets(%arg11 : memref<64xi32, #tpu.memory_space<vmem>>) semaphore(%arg17 : memref<!tpu.dma_semaphore, #tpu.memory_space<semaphore_mem>>)
      %dma_wait3A = arith.constant 0 : i32
      %dma_wait3A_80 = arith.constant 0 : i32
      %dma_wait3A_81 = tpu.memref_slice %arg3[%dma_wait3A, %dma_wait3A_80] : memref<20000x128xf32, #tpu.memory_space<hbm>> -> memref<20000x128xf32, #tpu.memory_space<hbm>>
      tpu.wait_indirect_dma semaphore(%arg16 : memref<!tpu.dma_semaphore, #tpu.memory_space<semaphore_mem>>) src(%dma_wait3A_81 : memref<20000x128xf32, #tpu.memory_space<hbm>>) dst(%arg12 : memref<64x128xf32, #tpu.memory_space<vmem>>)
      %dma_wait3A_82 = arith.constant 0 : i32
      %dma_wait3A_83 = arith.constant 0 : i32
      %dma_wait3A_84 = tpu.memref_slice %arg2[%dma_wait3A_82, %dma_wait3A_83] : memref<10000x128xf32, #tpu.memory_space<hbm>> -> memref<10000x128xf32, #tpu.memory_space<hbm>>
      tpu.wait_indirect_dma semaphore(%arg17 : memref<!tpu.dma_semaphore, #tpu.memory_space<semaphore_mem>>) src(%dma_wait3A_84 : memref<10000x128xf32, #tpu.memory_space<hbm>>) dst(%arg13 : memref<64x128xf32, #tpu.memory_space<vmem>>)
      %scan3A_85 = arith.constant 0 : i32
      %scan3A_86 = arith.constant 0 : i32
      %scan3A_87 = arith.constant 64 : i32
      %scan3A_88 = arith.addi %scan3A_86, %scan3A_87 : i32
      %scan3A_89 = arith.constant 1 : i32
      %scan3A_90 = scf.for %scan3A_93 = %scan3A_86 to %scan3A_88 step %scan3A_89 iter_args(%scan3A_94 = %scan3A_85) -> (i32)  : i32 {
        %get3A = arith.index_cast %scan3A_93 : i32 to index
        %get3A_95 = arith.constant 0 : index
        %get3A_96 = tpu.vector_load %arg13[%get3A, %get3A_95] {strides = array<i32>} : memref<64x128xf32, #tpu.memory_space<vmem>>, vector<16xf32>,
        %get3A_97 = arith.index_cast %scan3A_93 : i32 to index
        %get3A_98 = arith.constant 16 : index
        %get3A_99 = tpu.vector_load %arg13[%get3A_97, %get3A_98] {strides = array<i32>} : memref<64x128xf32, #tpu.memory_space<vmem>>, vector<16xf32>,
        %get3A_100 = arith.index_cast %scan3A_93 : i32 to index
        %get3A_101 = arith.constant 32 : index
        %get3A_102 = tpu.vector_load %arg13[%get3A_100, %get3A_101] {strides = array<i32>} : memref<64x128xf32, #tpu.memory_space<vmem>>, vector<16xf32>,
        %get3A_103 = arith.index_cast %scan3A_93 : i32 to index
        %get3A_104 = arith.constant 48 : index
        %get3A_105 = tpu.vector_load %arg13[%get3A_103, %get3A_104] {strides = array<i32>} : memref<64x128xf32, #tpu.memory_space<vmem>>, vector<16xf32>,
        %get3A_106 = arith.index_cast %scan3A_93 : i32 to index
        %get3A_107 = arith.constant 64 : index
        %get3A_108 = tpu.vector_load %arg13[%get3A_106, %get3A_107] {strides = array<i32>} : memref<64x128xf32, #tpu.memory_space<vmem>>, vector<16xf32>,
        %get3A_109 = arith.index_cast %scan3A_93 : i32 to index
        %get3A_110 = arith.constant 80 : index
        %get3A_111 = tpu.vector_load %arg13[%get3A_109, %get3A_110] {strides = array<i32>} : memref<64x128xf32, #tpu.memory_space<vmem>>, vector<16xf32>,
        %get3A_112 = arith.index_cast %scan3A_93 : i32 to index
        %get3A_113 = arith.constant 96 : index
        %get3A_114 = tpu.vector_load %arg13[%get3A_112, %get3A_113] {strides = array<i32>} : memref<64x128xf32, #tpu.memory_space<vmem>>, vector<16xf32>,
        %get3A_115 = arith.index_cast %scan3A_93 : i32 to index
        %get3A_116 = arith.constant 112 : index
        %get3A_117 = tpu.vector_load %arg13[%get3A_115, %get3A_116] {strides = array<i32>} : memref<64x128xf32, #tpu.memory_space<vmem>>, vector<16xf32>,
        %get3A_118 = arith.index_cast %scan3A_93 : i32 to index
        %get3A_119 = arith.constant 0 : index
        %get3A_120 = tpu.vector_load %arg12[%get3A_118, %get3A_119] {strides = array<i32>} : memref<64x128xf32, #tpu.memory_space<vmem>>, vector<16xf32>,
        %get3A_121 = arith.index_cast %scan3A_93 : i32 to index
        %get3A_122 = arith.constant 16 : index
        %get3A_123 = tpu.vector_load %arg12[%get3A_121, %get3A_122] {strides = array<i32>} : memref<64x128xf32, #tpu.memory_space<vmem>>, vector<16xf32>,
        %get3A_124 = arith.index_cast %scan3A_93 : i32 to index
        %get3A_125 = arith.constant 32 : index
        %get3A_126 = tpu.vector_load %arg12[%get3A_124, %get3A_125] {strides = array<i32>} : memref<64x128xf32, #tpu.memory_space<vmem>>, vector<16xf32>,
        %get3A_127 = arith.index_cast %scan3A_93 : i32 to index
        %get3A_128 = arith.constant 48 : index
        %get3A_129 = tpu.vector_load %arg12[%get3A_127, %get3A_128] {strides = array<i32>} : memref<64x128xf32, #tpu.memory_space<vmem>>, vector<16xf32>,
        %get3A_130 = arith.index_cast %scan3A_93 : i32 to index
        %get3A_131 = arith.constant 64 : index
        %get3A_132 = tpu.vector_load %arg12[%get3A_130, %get3A_131] {strides = array<i32>} : memref<64x128xf32, #tpu.memory_space<vmem>>, vector<16xf32>,
        %get3A_133 = arith.index_cast %scan3A_93 : i32 to index
        %get3A_134 = arith.constant 80 : index
        %get3A_135 = tpu.vector_load %arg12[%get3A_133, %get3A_134] {strides = array<i32>} : memref<64x128xf32, #tpu.memory_space<vmem>>, vector<16xf32>,
        %get3A_136 = arith.index_cast %scan3A_93 : i32 to index
        %get3A_137 = arith.constant 96 : index
        %get3A_138 = tpu.vector_load %arg12[%get3A_136, %get3A_137] {strides = array<i32>} : memref<64x128xf32, #tpu.memory_space<vmem>>, vector<16xf32>,
        %get3A_139 = arith.index_cast %scan3A_93 : i32 to index
        %get3A_140 = arith.constant 112 : index
        %get3A_141 = tpu.vector_load %arg12[%get3A_139, %get3A_140] {strides = array<i32>} : memref<64x128xf32, #tpu.memory_space<vmem>>, vector<16xf32>,
        %mul3A_142 = arith.mulf %get3A_120, %get3A_96 : vector<16xf32>
        %mul3A_143 = arith.mulf %get3A_123, %get3A_99 : vector<16xf32>
        %add3A_144 = arith.addf %mul3A_142, %mul3A_143 : vector<16xf32>
        %mul3A_145 = arith.mulf %get3A_126, %get3A_102 : vector<16xf32>
        %add3A_146 = arith.addf %add3A_144, %mul3A_145 : vector<16xf32>
        %mul3A_147 = arith.mulf %get3A_129, %get3A_105 : vector<16xf32>
        %add3A_148 = arith.addf %add3A_146, %mul3A_147 : vector<16xf32>
        %mul3A_149 = arith.mulf %get3A_132, %get3A_108 : vector<16xf32>
        %add3A_150 = arith.addf %add3A_148, %mul3A_149 : vector<16xf32>
        %mul3A_151 = arith.mulf %get3A_135, %get3A_111 : vector<16xf32>
        %add3A_152 = arith.addf %add3A_150, %mul3A_151 : vector<16xf32>
        %mul3A_153 = arith.mulf %get3A_138, %get3A_114 : vector<16xf32>
        %add3A_154 = arith.addf %add3A_152, %mul3A_153 : vector<16xf32>
        %mul3A_155 = arith.mulf %get3A_141, %get3A_117 : vector<16xf32>
        %add3A_156 = arith.addf %add3A_154, %mul3A_155 : vector<16xf32>
        %reduce_sum3A = arith.constant true
        %reduce_sum3A_157 = vector.broadcast %reduce_sum3A : i1 to vector<16xi1>
        %reduce_sum3A_158 = tpu.scan <sum>, %add3A_156 masked %reduce_sum3A_157 : vector<16xf32>, vector<16xi1> -> vector<16xf32>
        %reduce_sum3A_159 = vector.extract %reduce_sum3A_158[15] : f32 from vector<16xf32>
        %mul3A_160 = vector.broadcast %reduce_sum3A_159 : f32 to vector<16xf32>
        %mul3A_161 = arith.mulf %mul3A_160, %get3A_96 : vector<16xf32>
        %swap3A = arith.index_cast %scan3A_93 : i32 to index
        %swap3A_162 = arith.constant 0 : index
        %swap3A_163 = tpu.vector_load %arg14[%swap3A, %swap3A_162] {strides = array<i32>} : memref<64x144xf32, #tpu.memory_space<vmem>>, vector<16xf32>,
        tpu.vector_store %arg14[%swap3A, %swap3A_162], %mul3A_161 {strides = array<i32>} : memref<64x144xf32, #tpu.memory_space<vmem>>, vector<16xf32>,
        %mul3A_164 = vector.broadcast %reduce_sum3A_159 : f32 to vector<16xf32>
        %mul3A_165 = arith.mulf %mul3A_164, %get3A_99 : vector<16xf32>
        %swap3A_166 = arith.index_cast %scan3A_93 : i32 to index
        %swap3A_167 = arith.constant 16 : index
        %swap3A_168 = tpu.vector_load %arg14[%swap3A_166, %swap3A_167] {strides = array<i32>} : memref<64x144xf32, #tpu.memory_space<vmem>>, vector<16xf32>,
        tpu.vector_store %arg14[%swap3A_166, %swap3A_167], %mul3A_165 {strides = array<i32>} : memref<64x144xf32, #tpu.memory_space<vmem>>, vector<16xf32>,
        %mul3A_169 = vector.broadcast %reduce_sum3A_159 : f32 to vector<16xf32>
        %mul3A_170 = arith.mulf %mul3A_169, %get3A_102 : vector<16xf32>
        %swap3A_171 = arith.index_cast %scan3A_93 : i32 to index
        %swap3A_172 = arith.constant 32 : index
        %swap3A_173 = tpu.vector_load %arg14[%swap3A_171, %swap3A_172] {strides = array<i32>} : memref<64x144xf32, #tpu.memory_space<vmem>>, vector<16xf32>,
        tpu.vector_store %arg14[%swap3A_171, %swap3A_172], %mul3A_170 {strides = array<i32>} : memref<64x144xf32, #tpu.memory_space<vmem>>, vector<16xf32>,
        %mul3A_174 = vector.broadcast %reduce_sum3A_159 : f32 to vector<16xf32>
        %mul3A_175 = arith.mulf %mul3A_174, %get3A_105 : vector<16xf32>
        %swap3A_176 = arith.index_cast %scan3A_93 : i32 to index
        %swap3A_177 = arith.constant 48 : index
        %swap3A_178 = tpu.vector_load %arg14[%swap3A_176, %swap3A_177] {strides = array<i32>} : memref<64x144xf32, #tpu.memory_space<vmem>>, vector<16xf32>,
        tpu.vector_store %arg14[%swap3A_176, %swap3A_177], %mul3A_175 {strides = array<i32>} : memref<64x144xf32, #tpu.memory_space<vmem>>, vector<16xf32>,
        %mul3A_179 = vector.broadcast %reduce_sum3A_159 : f32 to vector<16xf32>
        %mul3A_180 = arith.mulf %mul3A_179, %get3A_108 : vector<16xf32>
        %swap3A_181 = arith.index_cast %scan3A_93 : i32 to index
        %swap3A_182 = arith.constant 64 : index
        %swap3A_183 = tpu.vector_load %arg14[%swap3A_181, %swap3A_182] {strides = array<i32>} : memref<64x144xf32, #tpu.memory_space<vmem>>, vector<16xf32>,
        tpu.vector_store %arg14[%swap3A_181, %swap3A_182], %mul3A_180 {strides = array<i32>} : memref<64x144xf32, #tpu.memory_space<vmem>>, vector<16xf32>,
        %mul3A_184 = vector.broadcast %reduce_sum3A_159 : f32 to vector<16xf32>
        %mul3A_185 = arith.mulf %mul3A_184, %get3A_111 : vector<16xf32>
        %swap3A_186 = arith.index_cast %scan3A_93 : i32 to index
        %swap3A_187 = arith.constant 80 : index
        %swap3A_188 = tpu.vector_load %arg14[%swap3A_186, %swap3A_187] {strides = array<i32>} : memref<64x144xf32, #tpu.memory_space<vmem>>, vector<16xf32>,
        tpu.vector_store %arg14[%swap3A_186, %swap3A_187], %mul3A_185 {strides = array<i32>} : memref<64x144xf32, #tpu.memory_space<vmem>>, vector<16xf32>,
        %mul3A_189 = vector.broadcast %reduce_sum3A_159 : f32 to vector<16xf32>
        %mul3A_190 = arith.mulf %mul3A_189, %get3A_114 : vector<16xf32>
        %swap3A_191 = arith.index_cast %scan3A_93 : i32 to index
        %swap3A_192 = arith.constant 96 : index
        %swap3A_193 = tpu.vector_load %arg14[%swap3A_191, %swap3A_192] {strides = array<i32>} : memref<64x144xf32, #tpu.memory_space<vmem>>, vector<16xf32>,
        tpu.vector_store %arg14[%swap3A_191, %swap3A_192], %mul3A_190 {strides = array<i32>} : memref<64x144xf32, #tpu.memory_space<vmem>>, vector<16xf32>,
        %mul3A_194 = vector.broadcast %reduce_sum3A_159 : f32 to vector<16xf32>
        %mul3A_195 = arith.mulf %mul3A_194, %get3A_117 : vector<16xf32>
        %swap3A_196 = arith.index_cast %scan3A_93 : i32 to index
        %swap3A_197 = arith.constant 112 : index
        %swap3A_198 = tpu.vector_load %arg14[%swap3A_196, %swap3A_197] {strides = array<i32>} : memref<64x144xf32, #tpu.memory_space<vmem>>, vector<16xf32>,
        tpu.vector_store %arg14[%swap3A_196, %swap3A_197], %mul3A_195 {strides = array<i32>} : memref<64x144xf32, #tpu.memory_space<vmem>>, vector<16xf32>,
        %scan3A_199 = arith.constant 0 : i32
        scf.yield %scan3A_199 : i32
      }
      %scan3A_91 = arith.constant 64 : i32
      "tpu.region"() ({
        %run_scoped3A = tpu.sem_alloc : memref<!tpu.dma_semaphore, #tpu.memory_space<semaphore_mem>>
        %dma_start3A_93 = arith.constant 0 : i32
        %dma_start3A_94 = arith.constant 0 : i32
        %dma_start3A_95 = tpu.memref_slice %arg15[%dma_start3A_93, %dma_start3A_94] : memref<10240x144xf32, #tpu.memory_space<vmem_shared>> -> memref<10240x144xf32, #tpu.memory_space<vmem_shared>>
        tpu.enqueue_indirect_dma source(%arg14 : memref<64x144xf32, #tpu.memory_space<vmem>>) target(%dma_start3A_95 : memref<10240x144xf32, #tpu.memory_space<vmem_shared>>) offsets(%arg10 : memref<64xi32, #tpu.memory_space<vmem>>) semaphore(%run_scoped3A : memref<!tpu.dma_semaphore, #tpu.memory_space<semaphore_mem>>) {add = true}
        %dma_wait3A_96 = arith.constant 0 : i32
        %dma_wait3A_97 = arith.constant 0 : i32
        %dma_wait3A_98 = tpu.memref_slice %arg15[%dma_wait3A_96, %dma_wait3A_97] : memref<10240x144xf32, #tpu.memory_space<vmem_shared>> -> memref<10240x144xf32, #tpu.memory_space<vmem_shared>>
        tpu.wait_indirect_dma semaphore(%run_scoped3A : memref<!tpu.dma_semaphore, #tpu.memory_space<semaphore_mem>>) src(%arg14 : memref<64x144xf32, #tpu.memory_space<vmem>>) dst(%dma_wait3A_98 : memref<10240x144xf32, #tpu.memory_space<vmem_shared>>)
        tpu.yield
      }) : () -> ()
      %while3A_92 = arith.constant 0 : i32
      scf.yield %while3A_92 : i32
    }
    %barrier3A_56 = arith.constant 0 : index
    tpu.barrier barrier_id(%barrier3A_56)
    %eq3A_57 = arith.constant 0 : i32
    %eq3A_58 = arith.cmpi eq, %arg0, %eq3A_57 : i32
    %convert_element_type3A = arith.extui %eq3A_58 : i1 to i32
    %cond3A = arith.constant 0 : i32
    %cond3A_59 = arith.cmpi ne, %convert_element_type3A, %cond3A : i32
    scf.if %cond3A_59 {
      "tpu.region"() ({
        %run_scoped3A = tpu.sem_alloc : memref<!tpu.dma_semaphore, #tpu.memory_space<semaphore_mem>>
        %dma_start3A = arith.constant 0 : i32
        %dma_start3A_65 = tpu.memref_slice %arg7[%mul3A_7, %dma_start3A] : memref<10240x144xf32, #tpu.memory_space<hbm>> -> memref<640x144xf32, #tpu.memory_space<hbm>>
        %dma_start3A_66 = arith.constant 0 : i32
        %dma_start3A_67 = tpu.memref_slice %arg15[%mul3A_7, %dma_start3A_66] : memref<10240x144xf32, #tpu.memory_space<vmem_shared>> -> memref<640x144xf32, #tpu.memory_space<vmem_shared>>
        tpu.enqueue_dma source(%dma_start3A_67 : memref<640x144xf32, #tpu.memory_space<vmem_shared>>) target(%dma_start3A_65 : memref<640x144xf32, #tpu.memory_space<hbm>>) target_semaphore(%run_scoped3A : memref<!tpu.dma_semaphore, #tpu.memory_space<semaphore_mem>>)
        %dma_wait3A = arith.constant 0 : i32
        %dma_wait3A_68 = tpu.memref_slice %arg7[%mul3A_7, %dma_wait3A] : memref<10240x144xf32, #tpu.memory_space<hbm>> -> memref<640x144xf32, #tpu.memory_space<hbm>>
        %dma_wait3A_69 = arith.constant 0 : i32
        %dma_wait3A_70 = tpu.memref_slice %arg15[%mul3A_7, %dma_wait3A_69] : memref<10240x144xf32, #tpu.memory_space<vmem_shared>> -> memref<640x144xf32, #tpu.memory_space<vmem_shared>>
        tpu.wait_dma2 semaphore(%run_scoped3A : memref<!tpu.dma_semaphore, #tpu.memory_space<semaphore_mem>>) src(%dma_wait3A_70 : memref<640x144xf32, #tpu.memory_space<vmem_shared>>) dst(%dma_wait3A_68 : memref<640x144xf32, #tpu.memory_space<hbm>>)
        tpu.yield
      }) : () -> ()
    } else {
    }
    %eq3A_60 = arith.constant 1 : i32
    %eq3A_61 = arith.cmpi eq, %arg0, %eq3A_60 : i32
    %convert_element_type3A_62 = arith.extui %eq3A_61 : i1 to i32
    %cond3A_63 = arith.constant 0 : i32
    %cond3A_64 = arith.cmpi ne, %convert_element_type3A_62, %cond3A_63 : i32
    scf.if %cond3A_64 {
      "tpu.region"() ({
        %run_scoped3A = tpu.sem_alloc : memref<!tpu.dma_semaphore, #tpu.memory_space<semaphore_mem>>
        %dma_start3A = arith.constant 0 : i32
        %dma_start3A_65 = tpu.memref_slice %arg8[%mul3A_7, %dma_start3A] : memref<10240x144xf32, #tpu.memory_space<hbm>> -> memref<640x144xf32, #tpu.memory_space<hbm>>
        %dma_start3A_66 = arith.constant 0 : i32
        %dma_start3A_67 = tpu.memref_slice %arg15[%mul3A_7, %dma_start3A_66] : memref<10240x144xf32, #tpu.memory_space<vmem_shared>> -> memref<640x144xf32, #tpu.memory_space<vmem_shared>>
        tpu.enqueue_dma source(%dma_start3A_67 : memref<640x144xf32, #tpu.memory_space<vmem_shared>>) target(%dma_start3A_65 : memref<640x144xf32, #tpu.memory_space<hbm>>) target_semaphore(%run_scoped3A : memref<!tpu.dma_semaphore, #tpu.memory_space<semaphore_mem>>)
        %dma_wait3A = arith.constant 0 : i32
        %dma_wait3A_68 = tpu.memref_slice %arg8[%mul3A_7, %dma_wait3A] : memref<10240x144xf32, #tpu.memory_space<hbm>> -> memref<640x144xf32, #tpu.memory_space<hbm>>
        %dma_wait3A_69 = arith.constant 0 : i32
        %dma_wait3A_70 = tpu.memref_slice %arg15[%mul3A_7, %dma_wait3A_69] : memref<10240x144xf32, #tpu.memory_space<vmem_shared>> -> memref<640x144xf32, #tpu.memory_space<vmem_shared>>
        tpu.wait_dma2 semaphore(%run_scoped3A : memref<!tpu.dma_semaphore, #tpu.memory_space<semaphore_mem>>) src(%dma_wait3A_70 : memref<640x144xf32, #tpu.memory_space<vmem_shared>>) dst(%dma_wait3A_68 : memref<640x144xf32, #tpu.memory_space<hbm>>)
        tpu.yield
      }) : () -> ()
    } else {
    }
    return
  }
}

module attributes {stable_mosaic.version = 14 : i64} {
  func.func @_att_proj_body(%arg0: i32, %arg1: memref<1000x128xf32, #tpu.memory_space<vmem>>, %arg2: memref<128x256xf32, #tpu.memory_space<vmem>>, %arg3: memref<1x256xf32, #tpu.memory_space<vmem>>, %arg4: memref<1000x256xf32, #tpu.memory_space<vmem>>) attributes {dimension_semantics = [#tpu.dimension_semantics<arbitrary>], iteration_bounds = array<i64: 10>, scalar_prefetch = 0 : i64, scratch_operands = 0 : i64, tpu.core_type = #tpu.core_type<tc>, window_params = [{transform_indices = @transform_0, window_bounds = array<i64: 1000, 128>}, {pipeline_mode = #tpu.pipeline_mode<synchronous>, transform_indices = @transform_1, window_bounds = array<i64: 128, 256>}, {pipeline_mode = #tpu.pipeline_mode<synchronous>, transform_indices = @transform_2, window_bounds = array<i64: 1, 256>}, {transform_indices = @transform_3, window_bounds = array<i64: 1000, 256>}]} {
    %get3A = arith.constant 0 : index
    %get3A_0 = arith.constant 0 : index
    %get3A_1 = vector.load %arg1[%get3A, %get3A_0] : memref<1000x128xf32, #tpu.memory_space<vmem>>, vector<1000x128xf32>
    %get3A_2 = arith.constant 0 : index
    %get3A_3 = arith.constant 0 : index
    %get3A_4 = vector.load %arg2[%get3A_2, %get3A_3] : memref<128x256xf32, #tpu.memory_space<vmem>>, vector<128x256xf32>
    %dot_general3A = arith.constant dense<0.000000e+00> : vector<1000x256xf32>
    %dot_general3A_5 = tpu.matmul %get3A_1, %get3A_4, %dot_general3A {dimension_numbers = #tpu.dot_dimension_numbers<[1], [0], [0], [1], [0, 0, 1, 1], [], []>, transpose_lhs_hint = false} : vector<1000x128xf32>, vector<128x256xf32>, vector<1000x256xf32> -> vector<1000x256xf32>
    %get3A_6 = arith.constant 0 : index
    %get3A_7 = arith.constant 0 : index
    %get3A_8 = vector.load %arg3[%get3A_6, %get3A_7] : memref<1x256xf32, #tpu.memory_space<vmem>>, vector<1x256xf32>
    %add3A = vector.broadcast %get3A_8 : vector<1x256xf32> to vector<1000x256xf32>
    %add3A_9 = arith.addf %dot_general3A_5, %add3A : vector<1000x256xf32>
    %swap3A = arith.constant 0 : index
    %swap3A_10 = arith.constant 0 : index
    %swap3A_11 = vector.load %arg4[%swap3A, %swap3A_10] : memref<1000x256xf32, #tpu.memory_space<vmem>>, vector<1000x256xf32>
    tpu.vector_store %arg4[%swap3A, %swap3A_10], %add3A_9 {strides = array<i32>} : memref<1000x256xf32, #tpu.memory_space<vmem>>, vector<1000x256xf32>,
    return
  }
  func.func @transform_0(%arg0: i32) -> (i32, i32) {
    %c0_i32 = arith.constant 0 : i32
    %c0_i32_0 = arith.constant 0 : i32
    return %arg0, %c0_i32 : i32, i32
  }
  func.func @transform_1(%arg0: i32) -> (i32, i32) {
    %c0_i32 = arith.constant 0 : i32
    %c0_i32_0 = arith.constant 0 : i32
    %c0_i32_1 = arith.constant 0 : i32
    return %c0_i32, %c0_i32_0 : i32, i32
  }
  func.func @transform_2(%arg0: i32) -> (i32, i32) {
    %c0_i32 = arith.constant 0 : i32
    %c0_i32_0 = arith.constant 0 : i32
    %c0_i32_1 = arith.constant 0 : i32
    return %c0_i32, %c0_i32_0 : i32, i32
  }
  func.func @transform_3(%arg0: i32) -> (i32, i32) {
    %c0_i32 = arith.constant 0 : i32
    %c0_i32_0 = arith.constant 0 : i32
    return %arg0, %c0_i32 : i32, i32
  }
}

module attributes {stable_mosaic.version = 14 : i64} {
  func.func @_epilogue_body(%arg0: i32, %arg1: memref<400x144xf32, #tpu.memory_space<vmem>>, %arg2: memref<400x144xf32, #tpu.memory_space<vmem>>, %arg3: memref<400x128xf32, #tpu.memory_space<vmem>>, %arg4: memref<128x64xf32, #tpu.memory_space<vmem>>, %arg5: memref<128x64xf32, #tpu.memory_space<vmem>>, %arg6: memref<1x64xf32, #tpu.memory_space<vmem>>, %arg7: memref<128x64xf32, #tpu.memory_space<vmem>>, %arg8: memref<128x64xf32, #tpu.memory_space<vmem>>, %arg9: memref<1x64xf32, #tpu.memory_space<vmem>>, %arg10: memref<400x128xf32, #tpu.memory_space<vmem>>) attributes {dimension_semantics = [#tpu.dimension_semantics<arbitrary>], iteration_bounds = array<i64: 25>, scalar_prefetch = 0 : i64, scratch_operands = 0 : i64, tpu.core_type = #tpu.core_type<tc>, window_params = [{transform_indices = @transform_0, window_bounds = array<i64: 400, 144>}, {transform_indices = @transform_1, window_bounds = array<i64: 400, 144>}, {transform_indices = @transform_2, window_bounds = array<i64: 400, 128>}, {pipeline_mode = #tpu.pipeline_mode<synchronous>, transform_indices = @transform_3, window_bounds = array<i64: 128, 64>}, {pipeline_mode = #tpu.pipeline_mode<synchronous>, transform_indices = @transform_4, window_bounds = array<i64: 128, 64>}, {pipeline_mode = #tpu.pipeline_mode<synchronous>, transform_indices = @transform_5, window_bounds = array<i64: 1, 64>}, {pipeline_mode = #tpu.pipeline_mode<synchronous>, transform_indices = @transform_6, window_bounds = array<i64: 128, 64>}, {pipeline_mode = #tpu.pipeline_mode<synchronous>, transform_indices = @transform_7, window_bounds = array<i64: 128, 64>}, {pipeline_mode = #tpu.pipeline_mode<synchronous>, transform_indices = @transform_8, window_bounds = array<i64: 1, 64>}, {transform_indices = @transform_9, window_bounds = array<i64: 400, 128>}]} {
    %get3A = arith.constant 0 : index
    %get3A_0 = arith.constant 0 : index
    %get3A_1 = vector.load %arg1[%get3A, %get3A_0] : memref<400x144xf32, #tpu.memory_space<vmem>>, vector<400x144xf32>
    %get3A_2 = arith.constant 0 : index
    %get3A_3 = arith.constant 0 : index
    %get3A_4 = vector.load %arg2[%get3A_2, %get3A_3] : memref<400x144xf32, #tpu.memory_space<vmem>>, vector<400x144xf32>
    %get3A_5 = arith.constant 0 : index
    %get3A_6 = arith.constant 0 : index
    %get3A_7 = vector.load %arg3[%get3A_5, %get3A_6] : memref<400x128xf32, #tpu.memory_space<vmem>>, vector<400x128xf32>
    %slice3A = vector.extract_strided_slice %get3A_1 {offsets = [0, 0], sizes = [400, 128], strides = [1, 1]} : vector<400x144xf32> to vector<400x128xf32>
    %slice3A_8 = vector.extract_strided_slice %get3A_1 {offsets = [0, 128], sizes = [400, 1], strides = [1, 1]} : vector<400x144xf32> to vector<400x1xf32>
    %max3A = arith.constant 1.000000e+00 : f32
    %max3A_9 = vector.broadcast %max3A : f32 to vector<400x1xf32>
    %max3A_10 = arith.maximumf %slice3A_8, %max3A_9 : vector<400x1xf32>
    %div3A = vector.broadcast %max3A_10 : vector<400x1xf32> to vector<400x128xf32>
    %div3A_11 = arith.divf %slice3A, %div3A : vector<400x128xf32>
    %slice3A_12 = vector.extract_strided_slice %get3A_4 {offsets = [0, 0], sizes = [400, 128], strides = [1, 1]} : vector<400x144xf32> to vector<400x128xf32>
    %slice3A_13 = vector.extract_strided_slice %get3A_4 {offsets = [0, 128], sizes = [400, 1], strides = [1, 1]} : vector<400x144xf32> to vector<400x1xf32>
    %max3A_14 = arith.constant 1.000000e+00 : f32
    %max3A_15 = vector.broadcast %max3A_14 : f32 to vector<400x1xf32>
    %max3A_16 = arith.maximumf %slice3A_13, %max3A_15 : vector<400x1xf32>
    %div3A_17 = vector.broadcast %max3A_16 : vector<400x1xf32> to vector<400x128xf32>
    %div3A_18 = arith.divf %slice3A_12, %div3A_17 : vector<400x128xf32>
    %get3A_19 = arith.constant 0 : index
    %get3A_20 = arith.constant 0 : index
    %get3A_21 = vector.load %arg4[%get3A_19, %get3A_20] : memref<128x64xf32, #tpu.memory_space<vmem>>, vector<128x64xf32>
    %dot_general3A = arith.constant dense<0.000000e+00> : vector<400x64xf32>
    %dot_general3A_22 = tpu.matmul %div3A_11, %get3A_21, %dot_general3A {dimension_numbers = #tpu.dot_dimension_numbers<[1], [0], [0], [1], [0, 0, 1, 1], [], []>, transpose_lhs_hint = false} : vector<400x128xf32>, vector<128x64xf32>, vector<400x64xf32> -> vector<400x64xf32>
    %get3A_23 = arith.constant 0 : index
    %get3A_24 = arith.constant 0 : index
    %get3A_25 = vector.load %arg5[%get3A_23, %get3A_24] : memref<128x64xf32, #tpu.memory_space<vmem>>, vector<128x64xf32>
    %dot_general3A_26 = arith.constant dense<0.000000e+00> : vector<400x64xf32>
    %dot_general3A_27 = tpu.matmul %get3A_7, %get3A_25, %dot_general3A_26 {dimension_numbers = #tpu.dot_dimension_numbers<[1], [0], [0], [1], [0, 0, 1, 1], [], []>, transpose_lhs_hint = false} : vector<400x128xf32>, vector<128x64xf32>, vector<400x64xf32> -> vector<400x64xf32>
    %add3A = arith.addf %dot_general3A_22, %dot_general3A_27 : vector<400x64xf32>
    %get3A_28 = arith.constant 0 : index
    %get3A_29 = arith.constant 0 : index
    %get3A_30 = vector.load %arg6[%get3A_28, %get3A_29] : memref<1x64xf32, #tpu.memory_space<vmem>>, vector<1x64xf32>
    %add3A_31 = vector.broadcast %get3A_30 : vector<1x64xf32> to vector<400x64xf32>
    %add3A_32 = arith.addf %add3A, %add3A_31 : vector<400x64xf32>
    %get3A_33 = arith.constant 0 : index
    %get3A_34 = arith.constant 0 : index
    %get3A_35 = vector.load %arg7[%get3A_33, %get3A_34] : memref<128x64xf32, #tpu.memory_space<vmem>>, vector<128x64xf32>
    %dot_general3A_36 = arith.constant dense<0.000000e+00> : vector<400x64xf32>
    %dot_general3A_37 = tpu.matmul %div3A_18, %get3A_35, %dot_general3A_36 {dimension_numbers = #tpu.dot_dimension_numbers<[1], [0], [0], [1], [0, 0, 1, 1], [], []>, transpose_lhs_hint = false} : vector<400x128xf32>, vector<128x64xf32>, vector<400x64xf32> -> vector<400x64xf32>
    %get3A_38 = arith.constant 0 : index
    %get3A_39 = arith.constant 0 : index
    %get3A_40 = vector.load %arg8[%get3A_38, %get3A_39] : memref<128x64xf32, #tpu.memory_space<vmem>>, vector<128x64xf32>
    %dot_general3A_41 = arith.constant dense<0.000000e+00> : vector<400x64xf32>
    %dot_general3A_42 = tpu.matmul %get3A_7, %get3A_40, %dot_general3A_41 {dimension_numbers = #tpu.dot_dimension_numbers<[1], [0], [0], [1], [0, 0, 1, 1], [], []>, transpose_lhs_hint = false} : vector<400x128xf32>, vector<128x64xf32>, vector<400x64xf32> -> vector<400x64xf32>
    %add3A_43 = arith.addf %dot_general3A_37, %dot_general3A_42 : vector<400x64xf32>
    %get3A_44 = arith.constant 0 : index
    %get3A_45 = arith.constant 0 : index
    %get3A_46 = vector.load %arg9[%get3A_44, %get3A_45] : memref<1x64xf32, #tpu.memory_space<vmem>>, vector<1x64xf32>
    %add3A_47 = vector.broadcast %get3A_46 : vector<1x64xf32> to vector<400x64xf32>
    %add3A_48 = arith.addf %add3A_43, %add3A_47 : vector<400x64xf32>
    %concatenate3A = tpu.concatenate %add3A_32, %add3A_48 in 1 : vector<400x64xf32>, vector<400x64xf32> -> vector<400x128xf32>
    %swap3A = arith.constant 0 : index
    %swap3A_49 = arith.constant 0 : index
    %swap3A_50 = vector.load %arg10[%swap3A, %swap3A_49] : memref<400x128xf32, #tpu.memory_space<vmem>>, vector<400x128xf32>
    tpu.vector_store %arg10[%swap3A, %swap3A_49], %concatenate3A {strides = array<i32>} : memref<400x128xf32, #tpu.memory_space<vmem>>, vector<400x128xf32>,
    return
  }
  func.func @transform_0(%arg0: i32) -> (i32, i32) {
    %c0_i32 = arith.constant 0 : i32
    %c0_i32_0 = arith.constant 0 : i32
    return %arg0, %c0_i32 : i32, i32
  }
  func.func @transform_1(%arg0: i32) -> (i32, i32) {
    %c0_i32 = arith.constant 0 : i32
    %c0_i32_0 = arith.constant 0 : i32
    return %arg0, %c0_i32 : i32, i32
  }
  func.func @transform_2(%arg0: i32) -> (i32, i32) {
    %c0_i32 = arith.constant 0 : i32
    %c0_i32_0 = arith.constant 0 : i32
    return %arg0, %c0_i32 : i32, i32
  }
  func.func @transform_3(%arg0: i32) -> (i32, i32) {
    %c0_i32 = arith.constant 0 : i32
    %c0_i32_0 = arith.constant 0 : i32
    %c0_i32_1 = arith.constant 0 : i32
    return %c0_i32, %c0_i32_0 : i32, i32
  }
  func.func @transform_4(%arg0: i32) -> (i32, i32) {
    %c0_i32 = arith.constant 0 : i32
    %c0_i32_0 = arith.constant 0 : i32
    %c0_i32_1 = arith.constant 0 : i32
    return %c0_i32, %c0_i32_0 : i32, i32
  }
  func.func @transform_5(%arg0: i32) -> (i32, i32) {
    %c0_i32 = arith.constant 0 : i32
    %c0_i32_0 = arith.constant 0 : i32
    %c0_i32_1 = arith.constant 0 : i32
    return %c0_i32, %c0_i32_0 : i32, i32
  }
  func.func @transform_6(%arg0: i32) -> (i32, i32) {
    %c0_i32 = arith.constant 0 : i32
    %c0_i32_0 = arith.constant 0 : i32
    %c0_i32_1 = arith.constant 0 : i32
    return %c0_i32, %c0_i32_0 : i32, i32
  }
  func.func @transform_7(%arg0: i32) -> (i32, i32) {
    %c0_i32 = arith.constant 0 : i32
    %c0_i32_0 = arith.constant 0 : i32
    %c0_i32_1 = arith.constant 0 : i32
    return %c0_i32, %c0_i32_0 : i32, i32
  }
  func.func @transform_8(%arg0: i32) -> (i32, i32) {
    %c0_i32 = arith.constant 0 : i32
    %c0_i32_0 = arith.constant 0 : i32
    %c0_i32_1 = arith.constant 0 : i32
    return %c0_i32, %c0_i32_0 : i32, i32
  }
  func.func @transform_9(%arg0: i32) -> (i32, i32) {
    %c0_i32 = arith.constant 0 : i32
    %c0_i32_0 = arith.constant 0 : i32
    return %arg0, %c0_i32 : i32, i32
  }
}

</mosaic_0001>

<sc_bundles>
// kernel: kernel.5.cloned.1.call-start
scs
__scs_entry_jumppad:
0x0: {  	(pc) =	sbr.rel $0x88, $3  }
0x1: {  	(tag) =	ssettag $0x0;
	lr =	simm.s32 $0x1  }
0x2: {  	[smem:$0x3F94] =	sst lr;
	_ =	strace $0xD0000000  }
0x3: {  	_ = 	snop  }
0x4: {  	_ = 	snop  }
0x5: {  	_ = 	snop  }
0x6: {  	_ = 	snop  }
0x7: {  	_ = 	snop  }
__scs_overlays_trampoline_lowered:
0x8: {  	[smem:$0x3FA3] =	sst s0  }
0x9: {  	[smem:$0x3FA4] =	sst s1  }
0xa: {  	[smem:$0x3FA5] =	sst s2  }
0xb: {  	[smem:$0x3FA6] =	sst s3  }
0xc: {  	[smem:$0x3FA7] =	sst s4  }
0xd: {  	[smem:$0x3FA8] =	sst s5  }
0xe: {  	[smem:$0x3FA9] =	sst s6  }
0xf: {  	[smem:$0x3FAA] =	sst s7  }
0x10: {  	[smem:$0x3FAB] =	sst s8  }
0x11: {  	[smem:$0x3FAC] =	sst s9;
	s0 =	simm.s32 @!p0 $0x0  }
0x12: {  	s1 =	sld [smem:$0x3F92];
	s0 =	simm.s32 @p0 $0x1  }
0x13: {  	[smem:$0x3FAD] =	sst s0;
	s0 =	simm.s32 @!p1 $0x0  }
0x14: {  	s2 =	sld [smem:$0x3F91];
	s0 =	simm.s32 @p1 $0x1  }
0x15: {  	[smem:$0x3FAE] =	sst s0;
	s0 =	simm.s32 @!p2 $0x0  }
0x16: {  	s3 =	sld [smem:$0x3FDB];
	s0 =	simm.s32 @p2 $0x1  }
0x17: {  	s4 =	simm.s32 $0x1BF5;
	[smem:$0x3FB0] =	sst s0  }
0x18: {  	s0 =	sld [smem:$0x3F93];
	_ =	swait.ge [sflag:s4], $0x0  }
0x19: {  	s7 =	sld [smem:$0x3F94]  }
0x1a: {  	s8 =	sadd.s32 $0xFFFFE003, lr  }
0x1b: {  	s9 =	sadd.s32 $0xFFFFFEF7, lr;
	s5 =	simm.s32 $0xFFFFFFFF;
	p2 =	slt.u32 s8, $0xFFFFF086  }
0x1c: {  	p1 =	slt.u32 s9, $0xF7A;
	s5 =	simm.s32 @!p2 $0x0  }
0x1d: {  	s5 =	simm.s32 @p1 $0x1;
	p0 =	seq.s32 s7, s2  }
0x1e: {  	s7 =	smul.u32 @!p0 $0xF7A, s2;
	p2 =	seq.s32 @!p0 s5, $0x0  }
0x1f: {  	s9 =	smul.u32 $0xF7A, s1;
	s8 =	simm.s32 @!p0 $0x1BF5;
	p2 =	por !p2, p0  }
0x20: {  	[sflag:s8] =	ssyncset.s32 @!p0 $0xFFFFF086;
	s6 =	sadd.s32 @!p0 s3, s7;
	s7 =	simm.s32 @!p0 $0x108  }
0x21: {  	s3 =	sadd.s32 s3, s9;
	s6 =	sadd.s32 @!p0 $0x88, s6;
	s7 =	simm.s32 @p2 $0x1082  }
0x22: {  	[simem:s7], [sflag:s8] =	dma.local @!p0 [hbm:s6], $0xF7A  }
0x23: {  	s9 =	sor.u32 $0xD0000000, s2;
	s6 =	simm.s32 $0x108;
	_ =	swait.ge @!p0 [sflag:s8], $0x0  }
0x24: {  	s3 =	sadd.s32 $0x88, s3;
	s6 =	simm.s32 @!p1 $0x1082;
	[sflag:s4] =	ssyncset.s32 $0xFFFFF086  }
0x25: {  	[simem:s6], [sflag:s4] =	dma.local [hbm:s3], $0xF7A  }
0x26: {  	[smem:$0x3F94] =	sst s1;
	(tag) =	ssettag s2;
	_ =	strace s9  }
0x27: {  	s1 =	sld [smem:$0x3FA4]  }
0x28: {  	s2 =	sld [smem:$0x3FA5]  }
0x29: {  	s4 =	sld [smem:$0x3FA7]  }
0x2a: {  	p0 =	seq.s32 s5, $0x0;
	s5 =	sld [smem:$0x3FA8]  }
0x2b: {  	s6 =	sld [smem:$0x3FA9]  }
0x2c: {  	s7 =	sld [smem:$0x3FAA]  }
0x2d: {  	s3 =	simm.s32 $0x108;
	s8 =	sld [smem:$0x3FAB]  }
0x2e: {  	s3 =	simm.s32 @!p0 $0x1082;
	s9 =	sld [smem:$0x3FAC]  }
0x2f: {  	lr =	sadd.s32 s0, s3;
	s0 =	sld [smem:$0x3FA3]  }
0x30: {  	s3 =	sld [smem:$0x3FA6]  }
0x31: {  	[smem:$0x3FAF] =	sst s10  }
0x32: {  	s10 =	sld [smem:$0x3FAD];
	_ =	sdelay $0x3  }
0x33: {  	p0 =	seq.s32 s10, $0x1;
	s10 =	sld [smem:$0x3FAF];
	_ =	sdelay $0x3  }
0x34: {  	[smem:$0x3FAF] =	sst s10  }
0x35: {  	s10 =	sld [smem:$0x3FAE];
	_ =	sdelay $0x3  }
0x36: {  	p1 =	seq.s32 s10, $0x1;
	s10 =	sld [smem:$0x3FAF];
	_ =	sdelay $0x3  }
0x37: {  	[smem:$0x3FAF] =	sst s10  }
0x38: {  	s10 =	sld [smem:$0x3FB0]  }
0x39: {  	_ = 	snop;
	(pc) =	sbr.ind lr, $3  }
0x3a: {  	_ = 	snop  }
0x3b: {  	_ = 	snop  }
0x3c: {  	p2 =	seq.s32 s10, $0x1;
	s10 =	sld [smem:$0x3FAF]  }
0x3d: {  	_ =	shalt  }
0x3e: {  	_ =	shalt  }
0x3f: {  	_ =	shalt  }
0x40: {  	_ =	shalt  }
0x41: {  	_ =	shalt  }
0x42: {  	_ =	shalt  }
0x43: {  	_ =	shalt  }
0x44: {  	_ =	shalt  }
0x45: {  	_ =	shalt  }
0x46: {  	_ =	shalt  }
0x47: {  	_ =	shalt  }
0x48: {  	_ =	shalt  }
0x49: {  	_ =	shalt  }
0x4a: {  	_ =	shalt  }
0x4b: {  	_ =	shalt  }
0x4c: {  	_ =	shalt  }
0x4d: {  	_ =	shalt  }
0x4e: {  	_ =	shalt  }
0x4f: {  	_ =	shalt  }
0x50: {  	_ =	shalt  }
0x51: {  	_ =	shalt  }
0x52: {  	_ =	shalt  }
0x53: {  	_ =	shalt  }
0x54: {  	_ =	shalt  }
0x55: {  	_ =	shalt  }
0x56: {  	_ =	shalt  }
0x57: {  	_ =	shalt  }
0x58: {  	_ =	shalt  }
0x59: {  	_ =	shalt  }
0x5a: {  	_ =	shalt  }
0x5b: {  	_ =	shalt  }
0x5c: {  	_ =	shalt  }
0x5d: {  	_ =	shalt  }
0x5e: {  	_ =	shalt  }
0x5f: {  	_ =	shalt  }
0x60: {  	_ =	shalt  }
0x61: {  	_ =	shalt  }
0x62: {  	_ =	shalt  }
0x63: {  	_ =	shalt  }
0x64: {  	_ =	shalt  }
0x65: {  	_ =	shalt  }
0x66: {  	_ =	shalt  }
0x67: {  	_ =	shalt  }
0x68: {  	_ =	shalt  }
0x69: {  	_ =	shalt  }
0x6a: {  	_ =	shalt  }
0x6b: {  	_ =	shalt  }
0x6c: {  	_ =	shalt  }
0x6d: {  	_ =	shalt  }
0x6e: {  	_ =	shalt  }
0x6f: {  	_ =	shalt  }
0x70: {  	_ =	shalt  }
0x71: {  	_ =	shalt  }
0x72: {  	_ =	shalt  }
0x73: {  	_ =	shalt  }
0x74: {  	_ =	shalt  }
0x75: {  	_ =	shalt  }
0x76: {  	_ =	shalt  }
0x77: {  	_ =	shalt  }
0x78: {  	_ =	shalt  }
0x79: {  	_ =	shalt  }
0x7a: {  	_ =	shalt  }
0x7b: {  	_ =	shalt  }
0x7c: {  	_ =	shalt  }
0x7d: {  	_ =	shalt  }
0x7e: {  	_ =	shalt  }
0x7f: {  	_ =	shalt  }
0x80: {  	_ =	shalt  }
0x81: {  	_ =	shalt  }
0x82: {  	_ =	shalt  }
0x83: {  	_ =	shalt  }
0x84: {  	_ =	shalt  }
0x85: {  	_ =	shalt  }
0x86: {  	_ =	shalt  }
0x87: {  	_ =	shalt  }
.Lfunc_end0:
.L_simem_size_0:
called_computation_lowered:
.L_overlay_start_0:
0x88: {  	s2 =	sld [smem:$0x3FD9]  }
0x89: {  	s3 =	sld [smem:$0x3FFE];
	_ =	sdelay $0x1  }
0x8a: {  	s1 =	srdreg.scid  }
0x8b: {  	s0 =	sand.u32 $0x1, s1  }
0x8c: {  	s17 =	sshll.u32 s0, $0xA;
	s2 =	sadd.s32 s3, s2  }
0x8d: {  	s2 =	sadd.s32 s2, s17  }
0x8e: {  	[smem:$0x3FBB] =	sst s2  }
0x8f: {  	_ = 	snop  }
0x90: {  	s2 =	sld [smem:$0x3FC9]  }
0x91: {  	s18 =	sld [smem:$0x3FD0];
	(tm) =	ssettm $0x1  }
0x92: {  	s4 =	sld [smem:$0x3FFB];
	_ =	sdelay $0x3  }
0x93: {  	_ =	strace s4  }
0x94: {  	s4 =	sld [smem:$0x3FFC];
	_ =	sdelay $0x3  }
0x95: {  	_ =	strace s4  }
0x96: {  	s4 =	sld [smem:$0x3FFD];
	_ =	sdelay $0x3  }
0x97: {  	_ =	strace s4  }
0x98: {  	_ =	strace $0x8FFFFFFF  }
0x99: {  	s19 =	sld [smem:$0x3FDB];
	_ =	sdelay $0x1  }
0x9a: {  	s5 =	simm.s32 $_scs_section_size  }
0x9b: {  	s6 =	simm.s32 $_size__tile_overlayer_lowered;
	s7 =	simm.s32 $_tile_overlayer_lowered  }
0x9c: {  	s22 =	simm.s32 $0x1BFF;
	s21 =	sshll.u32 s7, $0x1;
	s4 =	sadd.s32 s5, s19  }
0x9d: {  	s8 =	simm.s32 $0x0;
	s20 =	sshll.u32 s6, $0x1;
	s6 =	sadd.s32 s21, s4  }
0x9e: {  	[timem:s8], [sflag:s22] =	dma.local [hbm:s6], s20  }
0x9f: {  	_ =	swait.ge [sflag:s22], s20  }
0xa0: {  	s5 =	ssub.s32 $0x0, s20;
	[sflag:s22] =	ssyncset.done $0x0  }
0xa1: {  	[sflag:s22] =	ssyncadd.s32 s5;
	_ =	sdelay $0x1  }
0xa2: {  	s23 =	simm.s32 $0x1B8B  }
0xa3: {  	_ =	swait.ge [sflag:s23], $0x1  }
0xa4: {  	[sflag:s23] =	ssyncset.done $0x0  }
0xa5: {  	s25 =	simm.s32 $0x1B8E;
	s24 =	sld [smem:$0x3FFE];
	[sflag:s23] =	ssyncadd.s32 $0xFFFFFFFF  }
0xa6: {  	s26 =	simm.s32 $execute0_lowered;
	[smem:$0x3FD2] =	sst s25  }
0xa7: {  	s6 =	sshll.u32 s26, $0x1;
	_ =	strace $0x80000046;
	[dreg:$0x1] =	wrdreg $0xFFFFFFFF  }
0xa8: {  	s28 =	simm.s32 $_size_execute0_lowered;
	s4 =	sadd.s32 s4, s6;
	[dreg:$0x0] =	wrdreg $0x0  }
0xa9: {  	s6 =	sshll.u32 s28, $0x1;
	[dreg:$0x2] =	wrdreg s4  }
0xaa: {  	[dreg:$0x3] =	wrdreg s6  }
0xab: {  	[dreg:$0x4] =	wrdreg $0xC0  }
0xac: {  	_ =	task [dreg:s8], $0x5FFFF  }
0xad: {  	[dreg:$0x1] =	wrdreg $0xFFFFFFFF  }
0xae: {  	[dreg:$0x0] =	wrdreg $0x60  }
0xaf: {  	[dreg:$0x2] =	wrdreg s2  }
0xb0: {  	[dreg:$0x3] =	wrdreg s24  }
0xb1: {  	[dreg:$0x4] =	wrdreg s18  }
0xb2: {  	[dreg:$0x5] =	wrdreg $0x64C00  }
0xb3: {  	[dreg:$0x6] =	wrdreg $0x9  }
0xb4: {  	_ =	task.clear_ibuf [dreg:s8], $0x7FFFF;
	_ =	strace $0x90000046  }
0xb5: {  	s29 =	simm.s32 $0x9;
	_ =	strace $0x80000048  }
0xb6: {  	_ =	swait.ge [sflag:s29], $0x1  }
0xb7: {  	[sflag:s29] =	ssyncadd.s32 $0xFFFFFFFF  }
0xb8: {  	_ =	strace $0x90000048  }
0xb9: {  	_ =	sfence  }
0xba: {  	s30 =	sld [smem:$0x0];
	_ =	sdelay $0x2  }
0xbb: {  	s31 =	sshll.u32 s1, $0xD;
	s1 =	sshrl.u32 s1, $0x2  }
0xbc: {  	s3 =	sand.u32 $0x4000, s31;
	s1 =	sadd.s32 s1, s30  }
0xbd: {  	s0 =	sor.u32 s3, s0;
	s1 =	sshll.u32 s1, $0x11  }
0xbe: {  	s0 =	sor.u32 s1, s0  }
0xbf: {  	s0 =	sadd.s32 $0x8F2B, s0  }
0xc0: {  	[sflag:s0] =	ssyncadd.remote.s32 $0x1  }
0xc1: {  	_ =	sfence.sel $0xFFFF  }
0xc2: {  	[dreg:$0x0] =	wrdreg $0xFFFFFFFF;
	(pc) =	sbr.abs _section_cstart, $3  }
0xc3: {  	[dreg:$0x1] =	wrdreg $0xFFFFFFFF  }
0xc4: {  	_ =	task.clear_ibuf [dreg:s8], $0x2FFFF;
	_ =	strace $0x9FFFFFFF  }
0xc5: {  	(tm) =	ssettm $0x7FFFFFFF  }
tec
execute0_lowered:
.L_overlay_start_1:
0x0: {  	(tag) =	ssettag $0x1  }
0x1: {  	s1 =	rddreg [dreg:$0x0]  }
0x2: {  	s0 =	rddreg [dreg:$0x1]  }
0x3: {  	s2 =	rddreg [dreg:$0x2]  }
0x4: {  	s3 =	rddreg [dreg:$0x3]  }
0x5: {  	s5 =	simm.s32 $0x0;
	s4 =	srdreg.scid;
	s19 =	stileid.u32  }
0x6: {  	s17 =	simm.s32 $0x9D;
	s28 =	simm.s32 $0x40;
	s29 =	simm.s32 $0xC0  }
0x7: {  	s30 =	simm.s32 $0x20C0;
	s31 =	simm.s32 $0x1;
	[smem:$0x7FF] =	sst s5  }
0x8: {  	s6 =	sadd.s32 $0x1A00, s0;
	s4 =	sand.u32 $0x1, s4;
	s9 =	smul.u32 $0x5A000, s19  }
0x9: {  	s7 =	sadd.s32 $0x4FC00, s0;
	s11 =	smul.u32 $0x16800, s19;
	s8 =	sadd.s32 $0x59A00, s0  }
0xa: {  	p0 =	slt.u32 s19, $0x4;
	s19 =	sshll.u32 s19, $0x6;
	_ =	strace $0x80000047  }
0xb: {  	s10 =	ssub.s32 $0x2, s4;
	s17 =	simm.s32 @!p0 $0x9C;
	s26 =	smul.u32 $0x27100, s4  }
0xc: {  	p0 =	seq.s32 s4, $0x1;
	s4 =	simm.s32 $0x90800;
	s12 =	sshrl.u32 s10, $0x1  }
0xd: {  	s13 =	sshrl.u32 s9, $0x2;
	s9 =	sadd.s32 s11, s3;
	s4 =	simm.s32 @!p0 $0x63800  }
0xe: {  	s11 =	sshrl.u32 s11, $0x3;
	s10 =	ssub.s32 s10, s12;
	s22 =	sadd.s32 s13, s3  }
0xf: {  	s21 =	sadd.s32 s19, s26;
	s0 =	sadd.s32 s4, s0;
	s26 =	simm.s32 $0x80  }
0x10: {  	s13 =	sadd.s32 $0x2400, s22;
	s23 =	sadd.s32 $0x4800, s22;
	s24 =	sadd.s32 $0x6C00, s22  }
0x11: {  	s25 =	sadd.s32 $0x9000, s22;
	s14 =	sadd.s32 $0xB400, s22;
	[dreg:$0x5] =	wrdreg s13  }
0x12: {  	s15 =	sadd.s32 $0xD800, s22;
	s16 =	sadd.s32 $0xFC00, s22;
	[dreg:$0x6] =	wrdreg s23  }
0x13: {  	s18 =	sadd.s32 $0x12000, s22;
	s20 =	sadd.s32 $0x14400, s22;
	[dreg:$0x7] =	wrdreg s24  }
0x14: {  	v0 =	vimm.f32 $0.0e+00;
	vm0 =	vcmask $0x300;
	s22 =	smax.u32 s10, $0x1;
	[dreg:$0x8] =	wrdreg s25;
	s23 =	sadd.s32 s0, s11  }
0x15: {  	v1 =	vsel vm0, $0x3F800000, v0;
	s24 =	simm.s32 $0x40C0;
	s25 =	simm.s32 $0x3;
	s0 =	simm.s32 $0x2  }
.LBB2_1:
0x16: {  	s4 =	simm.s32 $0x0;
	s10 =	simm.s32 $0x240  }
.LBB2_2:
0x17: {  	p0 =	sne.s32 s10, $0x8DC0;
	[tilespmem:s4+$0x4140] =	vst v0  }
0x18: {  	[tilespmem:s4+$0x40C0] =	vst v0  }
0x19: {  	[tilespmem:s4+$0x40D0] =	vst v0  }
0x1a: {  	[tilespmem:s4+$0x40E0] =	vst v0  }
.Ltmp0:
0x1b: {  	[tilespmem:s4+$0x40F0] =	vst v0;
	(pc) =	sbr.rel @p0 .LBB2_2-.Ltmp0, $4  }
0x1c: {  	[tilespmem:s4+$0x4100] =	vst v0  }
0x1d: {  	[tilespmem:s4+$0x4110] =	vst v0  }
0x1e: {  	[tilespmem:s4+$0x4120] =	vst v0  }
0x1f: {  	[tilespmem:s4+$0x4130] =	vst v0;
	s4 =	sshra.s32 s10, $0x2;
	s10 =	sadd.s32 $0x240, s10  }
0x20: {  	[tilespmem:s4+$0x4140] =	vst v0  }
0x21: {  	[tilespmem:s4+$0x40C0] =	vst v0  }
0x22: {  	[tilespmem:s4+$0x40D0] =	vst v0  }
0x23: {  	[tilespmem:s4+$0x40E0] =	vst v0  }
0x24: {  	[tilespmem:s4+$0x40F0] =	vst v0  }
0x25: {  	[tilespmem:s4+$0x4100] =	vst v0  }
0x26: {  	[tilespmem:s4+$0x4110] =	vst v0  }
0x27: {  	[tilespmem:s4+$0x4120] =	vst v0  }
0x28: {  	[tilespmem:s4+$0x4130] =	vst v0  }
0x29: {  	[spmem:s9] =	stream.linear.scatter [tilespmem:s24], [sflag:$0x3], $0x2400, $0x38;
	[tilespmem:$0x1CCC0] =	vst v63  }
0x2a: {  	_ =	swait.ge [sflag:s25], $0x2400  }
0x2b: {  	[sflag:s25] =	ssyncset.done $0x0  }
0x2c: {  	s10 =	rddreg [dreg:$0x5];
	[sflag:s25] =	ssyncadd.s32 $0xFFFFDC00  }
0x2d: {  	[spmem:s10] =	stream.linear.scatter [tilespmem:s24], [sflag:$0x3], $0x2400, $0x38;
	[tilespmem:$0x1CCC0] =	vst v63  }
0x2e: {  	_ =	swait.ge [sflag:s25], $0x2400  }
0x2f: {  	[sflag:s25] =	ssyncset.done $0x0  }
0x30: {  	s11 =	rddreg [dreg:$0x6];
	[sflag:s25] =	ssyncadd.s32 $0xFFFFDC00  }
0x31: {  	[spmem:s11] =	stream.linear.scatter [tilespmem:s24], [sflag:$0x3], $0x2400, $0x38;
	[tilespmem:$0x1CCC0] =	vst v63  }
0x32: {  	_ =	swait.ge [sflag:s25], $0x2400  }
0x33: {  	[sflag:s25] =	ssyncset.done $0x0  }
0x34: {  	s12 =	rddreg [dreg:$0x7];
	[sflag:s25] =	ssyncadd.s32 $0xFFFFDC00  }
0x35: {  	[spmem:s12] =	stream.linear.scatter [tilespmem:s24], [sflag:$0x3], $0x2400, $0x38;
	[tilespmem:$0x1CCC0] =	vst v63  }
0x36: {  	_ =	swait.ge [sflag:s25], $0x2400  }
0x37: {  	[sflag:s25] =	ssyncset.done $0x0  }
0x38: {  	s13 =	rddreg [dreg:$0x8];
	[sflag:s25] =	ssyncadd.s32 $0xFFFFDC00  }
0x39: {  	[spmem:s13] =	stream.linear.scatter [tilespmem:s24], [sflag:$0x3], $0x2400, $0x38;
	[tilespmem:$0x1CCC0] =	vst v63  }
0x3a: {  	_ =	swait.ge [sflag:s25], $0x2400  }
0x3b: {  	[sflag:s25] =	ssyncset.done $0x0  }
0x3c: {  	[sflag:s25] =	ssyncadd.s32 $0xFFFFDC00  }
0x3d: {  	[spmem:s14] =	stream.linear.scatter [tilespmem:s24], [sflag:$0x3], $0x2400, $0x38;
	[tilespmem:$0x1CCC0] =	vst v63  }
0x3e: {  	_ =	swait.ge [sflag:s25], $0x2400  }
0x3f: {  	[sflag:s25] =	ssyncset.done $0x0  }
0x40: {  	[sflag:s25] =	ssyncadd.s32 $0xFFFFDC00  }
0x41: {  	[spmem:s15] =	stream.linear.scatter [tilespmem:s24], [sflag:$0x3], $0x2400, $0x38;
	[tilespmem:$0x1CCC0] =	vst v63  }
0x42: {  	_ =	swait.ge [sflag:s25], $0x2400  }
0x43: {  	[sflag:s25] =	ssyncset.done $0x0  }
0x44: {  	[sflag:s25] =	ssyncadd.s32 $0xFFFFDC00  }
0x45: {  	[spmem:s16] =	stream.linear.scatter [tilespmem:s24], [sflag:$0x3], $0x2400, $0x38;
	[tilespmem:$0x1CCC0] =	vst v63  }
0x46: {  	_ =	swait.ge [sflag:s25], $0x2400  }
0x47: {  	[sflag:s25] =	ssyncset.done $0x0  }
0x48: {  	[sflag:s25] =	ssyncadd.s32 $0xFFFFDC00  }
0x49: {  	[spmem:s18] =	stream.linear.scatter [tilespmem:s24], [sflag:$0x3], $0x2400, $0x38;
	[tilespmem:$0x1CCC0] =	vst v63  }
0x4a: {  	_ =	swait.ge [sflag:s25], $0x2400  }
0x4b: {  	[sflag:s25] =	ssyncset.done $0x0  }
0x4c: {  	[sflag:s25] =	ssyncadd.s32 $0xFFFFDC00  }
0x4d: {  	[spmem:s20] =	stream.linear.scatter [tilespmem:s24], [sflag:$0x3], $0x2400, $0x38;
	[tilespmem:$0x1CCC0] =	vst v63  }
0x4e: {  	_ =	swait.ge [sflag:s25], $0x2400  }
0x4f: {  	[sflag:s25] =	ssyncset.done $0x0  }
0x50: {  	[sflag:s25] =	ssyncadd.s32 $0xFFFFDC00  }
0x51: {  	s4 =	simm.s32 $0x440;
	s10 =	simm.s32 $0x80;
	[bflag:$0x0] =	sbarrier.arrive $0xFFFF  }
.LBB2_4:
0x52: {  	p0 =	sne.s32 s4, $0x8FC0;
	[tilespmem:s10+$0x40C0] =	vst v1;
	s10 =	smov.u32 s4;
	s4 =	sadd.s32 $0x240, s4  }
.Ltmp1:
0x53: {  	(pc) =	sbr.rel @p0 .LBB2_4-.Ltmp1, $2  }
0x54: {  	_ =	sdelay $0x2  }
0x55: {  	s10 =	sshra.s32 s10, $0x2  }
0x56: {  	[tilespmem:s10+$0x40C0] =	vst v1;
	s4 =	simm.s32 $0x0;
	s10 =	simm.s32 $0x0  }
.LBB2_6:
0x57: {  	s11 =	sshll.u32 s10, $0xA  }
0x58: {  	s11 =	sadd.s32 s11, s21  }
0x59: {  	s11 =	sshrl.u32 s11, $0x3  }
0x5a: {  	s12 =	sadd.s32 s7, s11  }
0x5b: {  	[tilespmem:s4], [sflag:$0x3] =	stream.linear.gather [hbm4b:s12+s4], $0x40, $0x38;
	[tilespmem:$0x1CCC0] =	vst v63  }
0x5c: {  	_ =	swait.ge [sflag:s25], $0x40  }
0x5d: {  	[sflag:s25] =	ssyncset.done $0x0  }
0x5e: {  	s13 =	sadd.s32 s8, s11;
	[sflag:s25] =	ssyncadd.s32 $0xFFFFFFC0  }
0x5f: {  	[tilespmem:s26], [sflag:$0x3] =	stream.linear.gather [hbm4b:s13+s4], $0x40, $0x38;
	[tilespmem:$0x1CCC0] =	vst v63  }
0x60: {  	_ =	swait.ge [sflag:s25], $0x40  }
0x61: {  	[sflag:s25] =	ssyncset.done $0x0  }
0x62: {  	s11 =	sadd.s32 s2, s11;
	[sflag:s25] =	ssyncadd.s32 $0xFFFFFFC0  }
0x63: {  	[tilespmem:s28], [sflag:$0x3] =	stream.linear.gather [hbm4b:s11+s4], $0x40, $0x38;
	[tilespmem:$0x1CCC0] =	vst v63  }
0x64: {  	_ =	swait.ge [sflag:s25], $0x40  }
0x65: {  	[sflag:s25] =	ssyncset.done $0x0  }
0x66: {  	[sflag:s25] =	ssyncadd.s32 $0xFFFFFFC0  }
0x67: {  	[tilespmem:s29], [sflag:$0x1] =	stream.indirect.gather [hbm4b:s6+s28], $0x80, s4, s28, $0xb8;
	[tilespmem:$0x1CCC0] =	vst v63  }
0x68: {  	_ = 	snop  }
0x69: {  	[tilespmem:s30], [sflag:$0x2] =	stream.indirect.gather [hbm4b:s1+s28], $0x80, s26, s28, $0xb8;
	[tilespmem:$0x1CCC0] =	vst v63  }
0x6a: {  	_ =	swait.ge [sflag:s31], $0x2000  }
0x6b: {  	[sflag:s31] =	ssyncset.done $0x0  }
0x6c: {  	[sflag:s31] =	ssyncadd.s32 $0xFFFFE000  }
0x6d: {  	_ =	swait.ge [sflag:s0], $0x2000  }
0x6e: {  	[sflag:s0] =	ssyncset.done $0x0  }
0x6f: {  	s13 =	simm.s32 $0x0;
	[sflag:s0] =	ssyncadd.s32 $0xFFFFE000  }
0x70: {  	v2 =	vld [tilespmem:s13+$0x20D0]  }
0x71: {  	v3 =	vld [tilespmem:s13+$0x20C0]  }
0x72: {  	v4 =	vld [tilespmem:s13+$0xC0]  }
0x73: {  	v5 =	vld [tilespmem:s13+$0xD0]  }
0x74: {  	v6 =	vld [tilespmem:s13+$0xE0]  }
0x75: {  	v7 =	vld [tilespmem:s13+$0x20E0]  }
0x76: {  	v8 =	vld [tilespmem:s13+$0xF0]  }
0x77: {  	v9 =	vld [tilespmem:s13+$0x20F0]  }
0x78: {  	v10 =	vld [tilespmem:s13+$0x100];
	v4 =	vmul.f32 v4, v3;
	v5 =	vmul.f32 v5, v2  }
0x79: {  	v11 =	vld [tilespmem:s13+$0x2100]  }
0x7a: {  	v12 =	vld [tilespmem:s13+$0x110];
	v4 =	vadd.f32 v5, v4;
	v5 =	vmul.f32 v6, v7  }
0x7b: {  	v6 =	vld [tilespmem:s13+$0x2110]  }
0x7c: {  	v13 =	vld [tilespmem:s13+$0x120];
	v4 =	vadd.f32 v5, v4;
	v5 =	vmul.f32 v8, v9  }
0x7d: {  	v61 =	vld [tilespmem:s13+$0x2120]  }
0x7e: {  	v14 =	vld [tilespmem:s13+$0x130];
	v4 =	vadd.f32 v5, v4;
	v5 =	vmul.f32 v10, v11  }
0x7f: {  	v62 =	vld [tilespmem:s13+$0x2130]  }
0x80: {  	v4 =	vadd.f32 v5, v4;
	v5 =	vmul.f32 v12, v6;
	_ =	sdelay $0x1  }
0x81: {  	v4 =	vadd.f32 v5, v4;
	v5 =	vmul.f32 v13, v61;
	_ =	sdelay $0x1  }
0x82: {  	v4 =	vadd.f32 v5, v4;
	v5 =	vmul.f32 v14, v62;
	_ =	sdelay $0x1  }
0x83: {  	v4 =	vadd.f32 v5, v4;
	_ =	sdelay $0x1  }
0x84: {  	(xrf2) =	vadd.scan.msk.f32 $0xffff, v4;
	_ =	sdelay $0x9  }
0x85: {  	v4, _, _ =	vpop (xrf2)  }
0x86: {  	v4 =	vbroadcast v4, $0xF;
	_ =	sdelay $0x1  }
0x87: {  	v5 =	vmul.f32 v4, v62  }
0x88: {  	s11 =	simm.s32 $0x4100;
	v8 =	vmul.f32 v4, v61  }
0x89: {  	v6 =	vmul.f32 v4, v6;
	[tilespmem:s11+$0x30] =	vst v5  }
0x8a: {  	v63 =	vmul.f32 v4, v9;
	[tilespmem:s11+$0x20] =	vst v8  }
0x8b: {  	v2 =	vmul.f32 v4, v2;
	[tilespmem:s11+$0x10] =	vst v6  }
0x8c: {  	v3 =	vmul.f32 v4, v3;
	[tilespmem:s11+$0xFFFFFFF0] =	vst v63  }
0x8d: {  	v5 =	vmul.f32 v4, v11;
	[tilespmem:s11+$0xFFFFFFD0] =	vst v2  }
0x8e: {  	v6 =	vmul.f32 v4, v7;
	[tilespmem:s11+$0xFFFFFFC0] =	vst v3  }
0x8f: {  	[tilespmem:s11+$0x0] =	vst v5  }
0x90: {  	s13 =	simm.s32 $0x80;
	[tilespmem:s11+$0xFFFFFFE0] =	vst v6  }
0x91: {  	v2 =	vld [tilespmem:s13+$0x20D0]  }
0x92: {  	v3 =	vld [tilespmem:s13+$0x20C0]  }
0x93: {  	s12 =	simm.s32 $0x400;
	v4 =	vld [tilespmem:s13+$0xC0]  }
.LBB2_7:
0x94: {  	p0 =	sne.s32 s12, $0x7E00;
	v5 =	vld [tilespmem:s13+$0xD0]  }
0x95: {  	v6 =	vld [tilespmem:s13+$0xE0]  }
0x96: {  	v7 =	vld [tilespmem:s13+$0x20E0]  }
0x97: {  	v8 =	vld [tilespmem:s13+$0xF0]  }
0x98: {  	v9 =	vld [tilespmem:s13+$0x20F0]  }
0x99: {  	v4 =	vmul.f32 v4, v3;
	v10 =	vld [tilespmem:s13+$0x100];
	v5 =	vmul.f32 v5, v2  }
0x9a: {  	v11 =	vld [tilespmem:s13+$0x2100]  }
0x9b: {  	v12 =	vld [tilespmem:s13+$0x110];
	v4 =	vadd.f32 v5, v4;
	v5 =	vmul.f32 v6, v7  }
0x9c: {  	v6 =	vld [tilespmem:s13+$0x2110]  }
0x9d: {  	v13 =	vld [tilespmem:s13+$0x120];
	v4 =	vadd.f32 v5, v4;
	v5 =	vmul.f32 v8, v9  }
0x9e: {  	v8 =	vld [tilespmem:s13+$0x2120]  }
0x9f: {  	v14 =	vld [tilespmem:s13+$0x130];
	v4 =	vadd.f32 v5, v4;
	v5 =	vmul.f32 v10, v11  }
0xa0: {  	v10 =	vld [tilespmem:s13+$0x2130]  }
0xa1: {  	v4 =	vadd.f32 v5, v4;
	v5 =	vmul.f32 v12, v6;
	_ =	sdelay $0x1  }
0xa2: {  	v4 =	vadd.f32 v5, v4;
	v5 =	vmul.f32 v13, v8;
	_ =	sdelay $0x1  }
0xa3: {  	v4 =	vadd.f32 v5, v4;
	v5 =	vmul.f32 v14, v10;
	_ =	sdelay $0x1  }
0xa4: {  	v4 =	vadd.f32 v5, v4;
	_ =	sdelay $0x1  }
0xa5: {  	(xrf2) =	vadd.scan.msk.f32 $0xffff, v4;
	_ =	sdelay $0x9  }
0xa6: {  	v4, _, _ =	vpop (xrf2)  }
0xa7: {  	v4 =	vbroadcast v4, $0xF;
	_ =	sdelay $0x1  }
0xa8: {  	v5 =	vmul.f32 v4, v8;
	v8 =	vmul.f32 v4, v10  }
0xa9: {  	s11 =	sadd.s32 $0x90, s11;
	v10 =	vmul.f32 v4, v11;
	v6 =	vmul.f32 v4, v6  }
0xaa: {  	v7 =	vmul.f32 v4, v7;
	v9 =	vmul.f32 v4, v9;
	[tilespmem:s11+$0x30] =	vst v8  }
0xab: {  	v3 =	vmul.f32 v4, v3;
	v2 =	vmul.f32 v4, v2;
	[tilespmem:s11+$0x20] =	vst v5  }
0xac: {  	[tilespmem:s11+$0x10] =	vst v6  }
0xad: {  	[tilespmem:s11+$0x0] =	vst v10  }
0xae: {  	[tilespmem:s11+$0xFFFFFFF0] =	vst v9  }
0xaf: {  	[tilespmem:s11+$0xFFFFFFE0] =	vst v7  }
.Ltmp2:
0xb0: {  	[tilespmem:s11+$0xFFFFFFD0] =	vst v2;
	(pc) =	sbr.rel @p0 .LBB2_7-.Ltmp2, $4  }
0xb1: {  	s13 =	sshra.s32 s12, $0x2;
	[tilespmem:s11+$0xFFFFFFC0] =	vst v3  }
0xb2: {  	v2 =	vld [tilespmem:s13+$0x20D0]  }
0xb3: {  	v3 =	vld [tilespmem:s13+$0x20C0]  }
0xb4: {  	s12 =	sadd.s32 $0x200, s12;
	v4 =	vld [tilespmem:s13+$0xC0]  }
0xb5: {  	v5 =	vld [tilespmem:s13+$0xD0]  }
0xb6: {  	v6 =	vld [tilespmem:s13+$0xE0]  }
0xb7: {  	v7 =	vld [tilespmem:s13+$0x20E0]  }
0xb8: {  	v8 =	vld [tilespmem:s13+$0xF0]  }
0xb9: {  	v9 =	vld [tilespmem:s13+$0x20F0]  }
0xba: {  	v10 =	vld [tilespmem:s13+$0x100];
	v4 =	vmul.f32 v4, v3;
	v5 =	vmul.f32 v5, v2  }
0xbb: {  	v11 =	vld [tilespmem:s13+$0x2100]  }
0xbc: {  	v12 =	vld [tilespmem:s13+$0x110];
	v51 =	vmul.f32 v6, v7;
	v4 =	vadd.f32 v5, v4  }
0xbd: {  	v52 =	vld [tilespmem:s13+$0x2110]  }
0xbe: {  	v13 =	vld [tilespmem:s13+$0x120];
	v53 =	vmul.f32 v8, v9;
	v4 =	vadd.f32 v51, v4  }
0xbf: {  	v54 =	vld [tilespmem:s13+$0x2120]  }
0xc0: {  	v14 =	vld [tilespmem:s13+$0x130];
	v55 =	vmul.f32 v10, v11;
	v4 =	vadd.f32 v53, v4  }
0xc1: {  	v56 =	vld [tilespmem:s13+$0x2130]  }
0xc2: {  	v57 =	vmul.f32 v12, v52;
	v4 =	vadd.f32 v55, v4;
	_ =	sdelay $0x1  }
0xc3: {  	v58 =	vmul.f32 v13, v54;
	v4 =	vadd.f32 v57, v4;
	_ =	sdelay $0x1  }
0xc4: {  	v59 =	vmul.f32 v14, v56;
	v4 =	vadd.f32 v58, v4;
	_ =	sdelay $0x1  }
0xc5: {  	v4 =	vadd.f32 v59, v4;
	_ =	sdelay $0x1  }
0xc6: {  	(xrf2) =	vadd.scan.msk.f32 $0xffff, v4;
	_ =	sdelay $0x9  }
0xc7: {  	v4, _, _ =	vpop (xrf2)  }
0xc8: {  	v4 =	vbroadcast v4, $0xF;
	_ =	sdelay $0x1  }
0xc9: {  	v60 =	vmul.f32 v4, v56  }
0xca: {  	s11 =	sadd.s32 $0x90, s11;
	v8 =	vmul.f32 v4, v54  }
0xcb: {  	v6 =	vmul.f32 v4, v52;
	[tilespmem:s11+$0x30] =	vst v60  }
0xcc: {  	v61 =	vmul.f32 v4, v11;
	[tilespmem:s11+$0x20] =	vst v8  }
0xcd: {  	v62 =	vmul.f32 v4, v9;
	[tilespmem:s11+$0x10] =	vst v6  }
0xce: {  	v63 =	vmul.f32 v4, v7;
	[tilespmem:s11+$0x0] =	vst v61  }
0xcf: {  	v2 =	vmul.f32 v4, v2;
	[tilespmem:s11+$0xFFFFFFF0] =	vst v62  }
0xd0: {  	s10 =	sadd.s32 $0x1, s10;
	v3 =	vmul.f32 v4, v3;
	[tilespmem:s11+$0xFFFFFFE0] =	vst v63  }
0xd1: {  	p0 =	sne.s32 s10, s17;
	[tilespmem:s11+$0xFFFFFFD0] =	vst v2  }
.Ltmp3:
0xd2: {  	[tilespmem:s11+$0xFFFFFFC0] =	vst v3;
	(pc) =	sbr.rel @p0 .LBB2_6-.Ltmp3, $4  }
0xd3: {  	[spmem:s3] =	stream.indirect.scatter.add.f32 [tilespmem:s24], [sflag:$0x3], $0x90, s28, s28, $0xb8;
	[tilespmem:$0x1CCC0] =	vst v63  }
0xd4: {  	_ =	swait.ge [sflag:s25], $0x2400  }
0xd5: {  	[sflag:s25] =	ssyncset.done $0x0  }
0xd6: {  	[sflag:s25] =	ssyncadd.s32 $0xFFFFDC00  }
0xd7: {  	s5 =	sadd.s32 $0x1, s5  }
0xd8: {  	[bflag:$0x0] =	sbarrier.arrive $0xFFFF;
	p0 =	sne.s32 s5, s22  }
.Ltmp4:
0xd9: {  	s4 =	sor.u32 $0x1C03, s19;
	s10 =	sshrl.u32 s9, $0x3;
	(pc) =	sbr.rel @p0 .LBB2_1-.Ltmp4, $4  }
0xda: {  	[hbm:s23], [sflag:s4] =	dma.local [spmem:s10], $0x2D00  }
0xdb: {  	_ =	swait.ge [sflag:s25], $0x2D00  }
0xdc: {  	[sflag:s25] =	ssyncset.done $0x0  }
0xdd: {  	[sflag:s25] =	ssyncadd.s32 $0xFFFFD300  }
0xde: {  	_ =	sfence.sel $0x180000  }
0xdf: {  	[bflag:$0x0] =	sbarrier.arrive $0xFFFF  }
0xe0: {  	_ =	strace $0x90000047  }
0xe1: {  	s0 =	stileid.u32;
	[bflag:$0x2] =	sbarrier.arrive $0xFFFF  }
0xe2: {  	p0 =	sne.s32 s0, $0x0;
	s0 =	rddreg [dreg:$0x4]  }
0xe3: {  	s0 =	sadd.s32 @!p0 $0x100000, s0  }
0xe4: {  	[sflag:s0] =	ssyncadd.tile.s32 @!p0 $0x1;
	_ =	shalt  }
.Lfunc_end2:
_tile_overlayer_lowered:
.L_overlay_start_2:
0xe5: {  	(tag) =	ssettag $0x2  }
0xe6: {  	s0 =	rddreg [dreg:$0x0];
	s2 =	stileid.u32  }
0xe7: {  	s1 =	rddreg [dreg:$0x1];
	p0 =	sne.s32 s2, $0x0  }
0xe8: {  	s3 =	rddreg [dreg:$0x2];
	[bflag:$0x3] =	sbarrier.arrive $0xFFFF;
	s2 =	simm.s32 @!p0 $0x1C03  }
0xe9: {  	[timem:s3], [sflag:s2] =	dma.local @!p0 [hbm:s0], s1  }
0xea: {  	s0 =	simm.s32 @!p0 $0x3  }
0xeb: {  	_ =	swait.ge @!p0 [sflag:s0], s1  }
0xec: {  	s1 =	ssub.s32 @!p0 $0x0, s1;
	[sflag:s0] =	ssyncset.done @!p0 $0x0  }
0xed: {  	[sflag:s0] =	ssyncadd.s32 @!p0 s1  }
0xee: {  	[bflag:$0x3] =	sbarrier.arrive $0xFFFF  }
0xef: {  	_ =	shalt  }

</sc_bundles>
